<compile_context>
chip_gen: v7x
topology: tpu7x:2x2x1
jax: 0.10.2.dev20260603
libtpu: 0.0.44.dev20260713+nightly
codegen_flags: <defaults>
</compile_context>

<pallas_src>
import jax
import jax.numpy as jnp
from jax import lax
from jax.experimental import pallas as pl
from jax.experimental.pallas import tpu as pltpu
from jax.experimental.pallas import tpu_sc as plsc

B = 16384
F = 26
V = 100000
H = 32
FC = 256
ED = 128

FH = F * H
NC, NS = 2, 16
NW = NC * NS
PAIRS_W = FH // NW
VEC = 16
VLO = 49920
VHI = V - VLO
CHB = B // 2


def _sc_gather_body(tables_hbm, obs_hbm, xt_hbm,
                    row_lo, row_hi, idxf, out_v, sem_lo, sem_hi):
    cid = lax.axis_index("c")
    sid = lax.axis_index("s")
    wid = sid * NC + cid
    p0 = wid * PAIRS_W
    f0 = lax.shift_right_logical(p0, 5)
    h0 = lax.bitwise_and(p0, 31)
    pltpu.async_copy(tables_hbm.at[f0, h0, pl.ds(0, VLO)], row_lo, sem_lo)
    pltpu.async_copy(tables_hbm.at[f0, h0, pl.ds(VLO, VHI)], row_hi, sem_hi)

    lane = lax.iota(jnp.int32, VEC)

    def pbody(i, prev_f):
        p = p0 + i
        f = lax.shift_right_logical(p, 5)
        h = lax.bitwise_and(p, 31)

        @pl.when(f != prev_f)
        def _stage_obs():
            pltpu.sync_copy(obs_hbm.at[f], idxf)

        def _prefetch(seg_lo, buf, sem):
            nxt = p + 1
            nf = lax.shift_right_logical(nxt, 5)
            nh = lax.bitwise_and(nxt, 31)
            if seg_lo:
                pltpu.async_copy(tables_hbm.at[nf, nh, pl.ds(0, VLO)], buf, sem)
            else:
                pltpu.async_copy(tables_hbm.at[nf, nh, pl.ds(VLO, VHI)], buf, sem)

        for bh in range(2):
            if bh == 0:
                pltpu.make_async_copy(
                    tables_hbm.at[f, h, pl.ds(0, VLO)], row_lo, sem_lo).wait()

            @plsc.parallel_loop(0, CHB // VEC, unroll=8)
            def _lo_pass(j):
                iv = idxf[pl.ds(bh * CHB + j * VEC, VEC)]
                ivc = jnp.minimum(iv, VLO - 1)
                g = plsc.load_gather(row_lo, [ivc])
                plsc.store_scatter(out_v, [lane + j * VEC], g, mask=iv < VLO)

            if bh == 1:
                @pl.when(i + 1 < PAIRS_W)
                def _pre_lo():
                    _prefetch(True, row_lo, sem_lo)
            else:
                pltpu.make_async_copy(
                    tables_hbm.at[f, h, pl.ds(VLO, VHI)], row_hi, sem_hi).wait()

            @plsc.parallel_loop(0, CHB // VEC, unroll=8)
            def _hi_pass(j):
                iv = idxf[pl.ds(bh * CHB + j * VEC, VEC)]
                ivc = jnp.maximum(iv - VLO, 0)
                g = plsc.load_gather(row_hi, [ivc])
                plsc.store_scatter(out_v, [lane + j * VEC], g, mask=iv >= VLO)

            pltpu.sync_copy(out_v, xt_hbm.at[p, pl.ds(bh * CHB, CHB)])

            if bh == 1:
                @pl.when(i + 1 < PAIRS_W)
                def _pre_hi():
                    _prefetch(False, row_hi, sem_hi)

        return f

    lax.fori_loop(0, PAIRS_W, pbody, jnp.int32(-1))


@jax.jit
def _sc_gather(tables_t, obs_t):
    mesh = plsc.VectorSubcoreMesh(
        core_axis_name="c", subcore_axis_name="s", num_cores=NC, num_subcores=NS
    )
    return pl.kernel(
        _sc_gather_body,
        out_type=jax.ShapeDtypeStruct((FH, B), jnp.float32),
        mesh=mesh,
        scratch_types=[
            pltpu.VMEM((VLO,), jnp.float32),
            pltpu.VMEM((VHI,), jnp.float32),
            pltpu.VMEM((B,), jnp.int32),
            pltpu.VMEM((CHB,), jnp.float32),
            pltpu.SemaphoreType.DMA,
            pltpu.SemaphoreType.DMA,
        ],
        compiler_params=pltpu.CompilerParams(needs_layout_passes=False),
    )(tables_t, obs_t)


def _mlp_body(xt_ref, w1t_ref, b1_ref, w2_ref, b2_ref, o_ref):
    yt = lax.dot_general(
        w1t_ref[...], xt_ref[...].astype(jnp.bfloat16),
        (((1,), (0,)), ((), ())),
        preferred_element_type=jnp.float32,
    )
    ht = jnp.maximum(yt + b1_ref[...], 0.0).astype(jnp.bfloat16)
    o = lax.dot_general(
        ht, w2_ref[...],
        (((0,), (0,)), ((), ())),
        preferred_element_type=jnp.float32,
    )
    o_ref[...] = o + b2_ref[...]


B_BLK = 4096


@jax.jit
def _tc_mlp(xt, W1T, b1c, W2, b2r):
    grid = (B // B_BLK,)
    return pl.pallas_call(
        _mlp_body,
        out_shape=jax.ShapeDtypeStruct((B, ED), jnp.float32),
        grid=grid,
        in_specs=[
            pl.BlockSpec((FH, B_BLK), lambda i: (0, i)),
            pl.BlockSpec((FC, FH), lambda i: (0, 0)),
            pl.BlockSpec((FC, 1), lambda i: (0, 0)),
            pl.BlockSpec((FC, ED), lambda i: (0, 0)),
            pl.BlockSpec((1, ED), lambda i: (0, 0)),
        ],
        out_specs=pl.BlockSpec((B_BLK, ED), lambda i: (i, 0)),
    )(xt, W1T, b1c, W2, b2r)


def kernel(obs, tables, W1, b1, W2, b2):
    tables_t = jnp.transpose(tables, (0, 2, 1))
    obs_t = jnp.transpose(obs.astype(jnp.int32))
    xt = _sc_gather(tables_t, obs_t)
    W1T = jnp.transpose(W1).astype(jnp.bfloat16)
    W2b = W2.astype(jnp.bfloat16)
    return _tc_mlp(xt, W1T, b1.reshape(FC, 1), W2b, b2.reshape(1, ED))

# --- scband reference (transcript-rebuilt; emitter-appended) ---
"""Pipeline reference for scband-mini-wob-embedder-18983755449020 (READ-ONLY COPY).

The authoritative reference and input builder live on the scoring server;
editing this copy changes nothing except your own understanding.
"""

import jax, jax.numpy as jnp
import numpy as np

B = 16384
F = 26
V = 100000
H = 32
FC = 256
ED = 128

def setup_inputs(seed: int = 0) -> dict:
    key = jax.random.key(seed)
    k0, k1, k2, k3 = jax.random.split(key, 4)
    obs = jax.random.randint(k0, (B, F), 0, V, dtype=jnp.int64)
    tables = jax.random.normal(k1, (F, V, H), dtype=jnp.float32) * 0.02
    W1 = jax.random.normal(k2, (F * H, FC), dtype=jnp.float32) * 0.02
    b1 = jnp.zeros((FC,), dtype=jnp.float32)
    W2 = jax.random.normal(k3, (FC, ED), dtype=jnp.float32) * 0.02
    b2 = jnp.zeros((ED,), dtype=jnp.float32)
    return {"obs": obs, "tables": tables, "W1": W1, "b1": b1, "W2": W2, "b2": b2}

def reference(obs, tables, W1, b1, W2, b2):
    # Per-field embedding lookup: for each field f, tables[f][obs[:, f]]
    field_idx = jnp.arange(F)[None, :]  # (1, F)
    gathered = tables[field_idx, obs]   # (B, F, H)
    x = gathered.reshape(B, F * H)      # concat along feature dim, matches torch.cat(embeds, -1)
    h = jax.nn.relu(x @ W1 + b1)
    out = h @ W2 + b2
    return out

if __name__ == "__main__":
    import jax
    _d = setup_inputs()
    print(jax.jit(kernel)(*tuple(_d.values())))

</pallas_src>

<mosaic_0001>
#map = affine_map<(d0, d1) -> (0, 0, 0)>
#map1 = affine_map<(d0, d1) -> (0, 0)>
module attributes {stable_mosaic.version = 14 : i64} {
  func.func @_sc_gather_body(%arg0: i32, %arg1: i32, %arg2: memref<26x32x100000xf32, #tpu.memory_space<hbm>>, %arg3: memref<26x16384xi32, #tpu.memory_space<hbm>>, %arg4: memref<832x16384xf32, #tpu.memory_space<hbm>>, %arg5: memref<49920xf32, #tpu.memory_space<vmem>>, %arg6: memref<50080xf32, #tpu.memory_space<vmem>>, %arg7: memref<16384xi32, #tpu.memory_space<vmem>>, %arg8: memref<8192xf32, #tpu.memory_space<vmem>>, %arg9: memref<!tpu.dma_semaphore, #tpu.memory_space<semaphore_mem>>, %arg10: memref<!tpu.dma_semaphore, #tpu.memory_space<semaphore_mem>>) attributes {dimension_semantics = [#tpu.dimension_semantics<core_parallel>, #tpu.dimension_semantics<subcore_parallel>], iteration_bounds = array<i64: 2, 16>, scalar_prefetch = 0 : i64, scratch_operands = 6 : i64, tpu.core_type = #tpu.core_type<sc_vector_subcore>, window_params = [{transform_indices = #map}, {transform_indices = #map1}, {transform_indices = #map1}]} {
    %mul3A = arith.constant 2 : i32
    %mul3A_0 = arith.muli %arg1, %mul3A : i32
    %add3A = arith.addi %mul3A_0, %arg0 : i32
    %mul3A_1 = arith.constant 26 : i32
    %mul3A_2 = arith.muli %add3A, %mul3A_1 : i32
    %shift_right_logical3A = arith.constant 5 : i32
    %shift_right_logical3A_3 = arith.shrui %mul3A_2, %shift_right_logical3A : i32
    %and3A = arith.constant 31 : i32
    %and3A_4 = arith.andi %mul3A_2, %and3A : i32
    %dma_start3A = arith.constant 0 : i32
    %dma_start3A_5 = tpu.memref_slice %arg2[%shift_right_logical3A_3, %and3A_4, %dma_start3A] : memref<26x32x100000xf32, #tpu.memory_space<hbm>> -> memref<1x1x49920xf32, #tpu.memory_space<hbm>>
    %dma_start3A_6 = tpu.memref_squeeze %dma_start3A_5 : memref<1x1x49920xf32, #tpu.memory_space<hbm>> -> memref<49920xf32, #tpu.memory_space<hbm>>
    %dma_start3A_7 = arith.constant 0 : i32
    %dma_start3A_8 = tpu.memref_slice %arg2[%shift_right_logical3A_3, %and3A_4, %dma_start3A_7] : memref<26x32x100000xf32, #tpu.memory_space<hbm>> -> memref<1x1x49920xf32, #tpu.memory_space<hbm>>
    %dma_start3A_9 = tpu.memref_squeeze %dma_start3A_8 : memref<1x1x49920xf32, #tpu.memory_space<hbm>> -> memref<49920xf32, #tpu.memory_space<hbm>>
    tpu.enqueue_dma source(%dma_start3A_9 : memref<49920xf32, #tpu.memory_space<hbm>>) target(%arg5 : memref<49920xf32, #tpu.memory_space<vmem>>) target_semaphore(%arg9 : memref<!tpu.dma_semaphore, #tpu.memory_space<semaphore_mem>>)
    %dma_start3A_10 = arith.constant 49920 : i32
    %dma_start3A_11 = tpu.memref_slice %arg2[%shift_right_logical3A_3, %and3A_4, %dma_start3A_10] : memref<26x32x100000xf32, #tpu.memory_space<hbm>> -> memref<1x1x50080xf32, #tpu.memory_space<hbm>>
    %dma_start3A_12 = tpu.memref_squeeze %dma_start3A_11 : memref<1x1x50080xf32, #tpu.memory_space<hbm>> -> memref<50080xf32, #tpu.memory_space<hbm>>
    %dma_start3A_13 = arith.constant 49920 : i32
    %dma_start3A_14 = tpu.memref_slice %arg2[%shift_right_logical3A_3, %and3A_4, %dma_start3A_13] : memref<26x32x100000xf32, #tpu.memory_space<hbm>> -> memref<1x1x50080xf32, #tpu.memory_space<hbm>>
    %dma_start3A_15 = tpu.memref_squeeze %dma_start3A_14 : memref<1x1x50080xf32, #tpu.memory_space<hbm>> -> memref<50080xf32, #tpu.memory_space<hbm>>
    tpu.enqueue_dma source(%dma_start3A_15 : memref<50080xf32, #tpu.memory_space<hbm>>) target(%arg6 : memref<50080xf32, #tpu.memory_space<vmem>>) target_semaphore(%arg10 : memref<!tpu.dma_semaphore, #tpu.memory_space<semaphore_mem>>)
    %iota3A = tpu.iota {dimensions = array<i32: 0>} : vector<16xi32>
    %scan3A = arith.constant -1 : i32
    %scan3A_16 = arith.constant 0 : i32
    %scan3A_17 = arith.constant 26 : i32
    %scan3A_18 = arith.addi %scan3A_16, %scan3A_17 : i32
    %scan3A_19 = arith.constant 1 : i32
    %scan3A_20 = scf.for %scan3A_22 = %scan3A_16 to %scan3A_18 step %scan3A_19 iter_args(%scan3A_23 = %scan3A) -> (i32)  : i32 {
      %add3A_24 = arith.addi %mul3A_2, %scan3A_22 : i32
      %shift_right_logical3A_25 = arith.constant 5 : i32
      %shift_right_logical3A_26 = arith.shrui %add3A_24, %shift_right_logical3A_25 : i32
      %and3A_27 = arith.constant 31 : i32
      %and3A_28 = arith.andi %add3A_24, %and3A_27 : i32
      %ne3A = arith.cmpi ne, %shift_right_logical3A_26, %scan3A_23 : i32
      %convert_element_type3A = arith.extui %ne3A : i1 to i32
      %cond3A = arith.constant 0 : i32
      %cond3A_29 = arith.cmpi ne, %convert_element_type3A, %cond3A : i32
      scf.if %cond3A_29 {
        "tpu.region"() ({
          %run_scoped3A = tpu.sem_alloc : memref<!tpu.dma_semaphore, #tpu.memory_space<semaphore_mem>>
          %dma_start3A_65 = arith.constant 0 : i32
          %dma_start3A_66 = tpu.memref_slice %arg3[%shift_right_logical3A_26, %dma_start3A_65] : memref<26x16384xi32, #tpu.memory_space<hbm>> -> memref<1x16384xi32, #tpu.memory_space<hbm>>
          %dma_start3A_67 = tpu.memref_squeeze %dma_start3A_66 : memref<1x16384xi32, #tpu.memory_space<hbm>> -> memref<16384xi32, #tpu.memory_space<hbm>>
          %dma_start3A_68 = arith.constant 0 : i32
          %dma_start3A_69 = tpu.memref_slice %arg3[%shift_right_logical3A_26, %dma_start3A_68] : memref<26x16384xi32, #tpu.memory_space<hbm>> -> memref<1x16384xi32, #tpu.memory_space<hbm>>
          %dma_start3A_70 = tpu.memref_squeeze %dma_start3A_69 : memref<1x16384xi32, #tpu.memory_space<hbm>> -> memref<16384xi32, #tpu.memory_space<hbm>>
          tpu.enqueue_dma source(%dma_start3A_70 : memref<16384xi32, #tpu.memory_space<hbm>>) target(%arg7 : memref<16384xi32, #tpu.memory_space<vmem>>) target_semaphore(%run_scoped3A : memref<!tpu.dma_semaphore, #tpu.memory_space<semaphore_mem>>)
          %dma_wait3A_71 = arith.constant 0 : i32
          %dma_wait3A_72 = tpu.memref_slice %arg3[%shift_right_logical3A_26, %dma_wait3A_71] : memref<26x16384xi32, #tpu.memory_space<hbm>> -> memref<1x16384xi32, #tpu.memory_space<hbm>>
          %dma_wait3A_73 = tpu.memref_squeeze %dma_wait3A_72 : memref<1x16384xi32, #tpu.memory_space<hbm>> -> memref<16384xi32, #tpu.memory_space<hbm>>
          %dma_wait3A_74 = arith.constant 0 : i32
          %dma_wait3A_75 = tpu.memref_slice %arg3[%shift_right_logical3A_26, %dma_wait3A_74] : memref<26x16384xi32, #tpu.memory_space<hbm>> -> memref<1x16384xi32, #tpu.memory_space<hbm>>
          %dma_wait3A_76 = tpu.memref_squeeze %dma_wait3A_75 : memref<1x16384xi32, #tpu.memory_space<hbm>> -> memref<16384xi32, #tpu.memory_space<hbm>>
          tpu.wait_dma2 semaphore(%run_scoped3A : memref<!tpu.dma_semaphore, #tpu.memory_space<semaphore_mem>>) src(%dma_wait3A_76 : memref<16384xi32, #tpu.memory_space<hbm>>) dst(%arg7 : memref<16384xi32, #tpu.memory_space<vmem>>)
          tpu.yield
        }) : () -> ()
      } else {
      }
      %dma_wait3A = arith.constant 0 : i32
      %dma_wait3A_30 = tpu.memref_slice %arg2[%shift_right_logical3A_26, %and3A_28, %dma_wait3A] : memref<26x32x100000xf32, #tpu.memory_space<hbm>> -> memref<1x1x49920xf32, #tpu.memory_space<hbm>>
      %dma_wait3A_31 = tpu.memref_squeeze %dma_wait3A_30 : memref<1x1x49920xf32, #tpu.memory_space<hbm>> -> memref<49920xf32, #tpu.memory_space<hbm>>
      %dma_wait3A_32 = arith.constant 0 : i32
      %dma_wait3A_33 = tpu.memref_slice %arg2[%shift_right_logical3A_26, %and3A_28, %dma_wait3A_32] : memref<26x32x100000xf32, #tpu.memory_space<hbm>> -> memref<1x1x49920xf32, #tpu.memory_space<hbm>>
      %dma_wait3A_34 = tpu.memref_squeeze %dma_wait3A_33 : memref<1x1x49920xf32, #tpu.memory_space<hbm>> -> memref<49920xf32, #tpu.memory_space<hbm>>
      tpu.wait_dma2 semaphore(%arg9 : memref<!tpu.dma_semaphore, #tpu.memory_space<semaphore_mem>>) src(%dma_wait3A_34 : memref<49920xf32, #tpu.memory_space<hbm>>) dst(%arg5 : memref<49920xf32, #tpu.memory_space<vmem>>)
      %parallel_loop3A = arith.constant 0 : i32
      %parallel_loop3A_35 = arith.constant 512 : i32
      %parallel_loop3A_36 = arith.constant 1 : i32
      scf.for %parallel_loop3A_65 = %parallel_loop3A to %parallel_loop3A_35 step %parallel_loop3A_36  : i32 {
        %parallel_loop3A_66 = arith.constant 16 : i32
        %parallel_loop3A_67 = arith.muli %parallel_loop3A_65, %parallel_loop3A_66 : i32
        %parallel_loop3A_68 = arith.constant 0 : i32
        %parallel_loop3A_69 = arith.addi %parallel_loop3A_68, %parallel_loop3A_67 : i32
        %parallel_loop3A_70 = arith.index_cast %parallel_loop3A_69 : i32 to index
        %parallel_loop3A_71 = tpu.vector_load %arg7[%parallel_loop3A_70] {strides = array<i32>} : memref<16384xi32, #tpu.memory_space<vmem>>, vector<16xi32>,
        %parallel_loop3A_72 = arith.constant 49919 : i32
        %parallel_loop3A_73 = vector.broadcast %parallel_loop3A_72 : i32 to vector<16xi32>
        %parallel_loop3A_74 = arith.minsi %parallel_loop3A_71, %parallel_loop3A_73 : vector<16xi32>
        %parallel_loop3A_75 = tpu.vector_load_idx %arg5[%parallel_loop3A_74] : memref<49920xf32, #tpu.memory_space<vmem>>[vector<16xi32>], vector<16xf32>,
        %parallel_loop3A_76 = arith.constant 16 : i32
        %parallel_loop3A_77 = arith.muli %parallel_loop3A_65, %parallel_loop3A_76 : i32
        %parallel_loop3A_78 = vector.broadcast %parallel_loop3A_77 : i32 to vector<16xi32>
        %parallel_loop3A_79 = arith.addi %iota3A, %parallel_loop3A_78 : vector<16xi32>
        %parallel_loop3A_80 = arith.constant 49920 : i32
        %parallel_loop3A_81 = vector.broadcast %parallel_loop3A_80 : i32 to vector<16xi32>
        %parallel_loop3A_82 = arith.cmpi slt, %parallel_loop3A_71, %parallel_loop3A_81 : vector<16xi32>
        tpu.vector_store_idx %arg8[%parallel_loop3A_79], %parallel_loop3A_75 masked %parallel_loop3A_82 : memref<8192xf32, #tpu.memory_space<vmem>>[vector<16xi32>], vector<16xf32>, vector<16xi1>
      } {sc.loop_unroll_factor = 8 : i64, sc.parallel_access}
      %dma_wait3A_37 = arith.constant 49920 : i32
      %dma_wait3A_38 = tpu.memref_slice %arg2[%shift_right_logical3A_26, %and3A_28, %dma_wait3A_37] : memref<26x32x100000xf32, #tpu.memory_space<hbm>> -> memref<1x1x50080xf32, #tpu.memory_space<hbm>>
      %dma_wait3A_39 = tpu.memref_squeeze %dma_wait3A_38 : memref<1x1x50080xf32, #tpu.memory_space<hbm>> -> memref<50080xf32, #tpu.memory_space<hbm>>
      %dma_wait3A_40 = arith.constant 49920 : i32
      %dma_wait3A_41 = tpu.memref_slice %arg2[%shift_right_logical3A_26, %and3A_28, %dma_wait3A_40] : memref<26x32x100000xf32, #tpu.memory_space<hbm>> -> memref<1x1x50080xf32, #tpu.memory_space<hbm>>
      %dma_wait3A_42 = tpu.memref_squeeze %dma_wait3A_41 : memref<1x1x50080xf32, #tpu.memory_space<hbm>> -> memref<50080xf32, #tpu.memory_space<hbm>>
      tpu.wait_dma2 semaphore(%arg10 : memref<!tpu.dma_semaphore, #tpu.memory_space<semaphore_mem>>) src(%dma_wait3A_42 : memref<50080xf32, #tpu.memory_space<hbm>>) dst(%arg6 : memref<50080xf32, #tpu.memory_space<vmem>>)
      %parallel_loop3A_43 = arith.constant 0 : i32
      %parallel_loop3A_44 = arith.constant 512 : i32
      %parallel_loop3A_45 = arith.constant 1 : i32
      scf.for %parallel_loop3A_65 = %parallel_loop3A_43 to %parallel_loop3A_44 step %parallel_loop3A_45  : i32 {
        %parallel_loop3A_66 = arith.constant 16 : i32
        %parallel_loop3A_67 = arith.muli %parallel_loop3A_65, %parallel_loop3A_66 : i32
        %parallel_loop3A_68 = arith.constant 0 : i32
        %parallel_loop3A_69 = arith.addi %parallel_loop3A_68, %parallel_loop3A_67 : i32
        %parallel_loop3A_70 = arith.index_cast %parallel_loop3A_69 : i32 to index
        %parallel_loop3A_71 = tpu.vector_load %arg7[%parallel_loop3A_70] {strides = array<i32>} : memref<16384xi32, #tpu.memory_space<vmem>>, vector<16xi32>,
        %parallel_loop3A_72 = arith.constant 49920 : i32
        %parallel_loop3A_73 = vector.broadcast %parallel_loop3A_72 : i32 to vector<16xi32>
        %parallel_loop3A_74 = arith.subi %parallel_loop3A_71, %parallel_loop3A_73 : vector<16xi32>
        %parallel_loop3A_75 = arith.constant 0 : i32
        %parallel_loop3A_76 = vector.broadcast %parallel_loop3A_75 : i32 to vector<16xi32>
        %parallel_loop3A_77 = arith.maxsi %parallel_loop3A_74, %parallel_loop3A_76 : vector<16xi32>
        %parallel_loop3A_78 = tpu.vector_load_idx %arg6[%parallel_loop3A_77] : memref<50080xf32, #tpu.memory_space<vmem>>[vector<16xi32>], vector<16xf32>,
        %parallel_loop3A_79 = arith.constant 16 : i32
        %parallel_loop3A_80 = arith.muli %parallel_loop3A_65, %parallel_loop3A_79 : i32
        %parallel_loop3A_81 = vector.broadcast %parallel_loop3A_80 : i32 to vector<16xi32>
        %parallel_loop3A_82 = arith.addi %iota3A, %parallel_loop3A_81 : vector<16xi32>
        %parallel_loop3A_83 = arith.constant 49920 : i32
        %parallel_loop3A_84 = vector.broadcast %parallel_loop3A_83 : i32 to vector<16xi32>
        %parallel_loop3A_85 = arith.cmpi sge, %parallel_loop3A_71, %parallel_loop3A_84 : vector<16xi32>
        tpu.vector_store_idx %arg8[%parallel_loop3A_82], %parallel_loop3A_78 masked %parallel_loop3A_85 : memref<8192xf32, #tpu.memory_space<vmem>>[vector<16xi32>], vector<16xf32>, vector<16xi1>
      } {sc.loop_unroll_factor = 8 : i64, sc.parallel_access}
      "tpu.region"() ({
        %run_scoped3A = tpu.sem_alloc : memref<!tpu.dma_semaphore, #tpu.memory_space<semaphore_mem>>
        %dma_start3A_65 = arith.constant 0 : i32
        %dma_start3A_66 = tpu.memref_slice %arg4[%add3A_24, %dma_start3A_65] : memref<832x16384xf32, #tpu.memory_space<hbm>> -> memref<1x8192xf32, #tpu.memory_space<hbm>>
        %dma_start3A_67 = tpu.memref_squeeze %dma_start3A_66 : memref<1x8192xf32, #tpu.memory_space<hbm>> -> memref<8192xf32, #tpu.memory_space<hbm>>
        %dma_start3A_68 = arith.constant 0 : i32
        %dma_start3A_69 = tpu.memref_slice %arg4[%add3A_24, %dma_start3A_68] : memref<832x16384xf32, #tpu.memory_space<hbm>> -> memref<1x8192xf32, #tpu.memory_space<hbm>>
        %dma_start3A_70 = tpu.memref_squeeze %dma_start3A_69 : memref<1x8192xf32, #tpu.memory_space<hbm>> -> memref<8192xf32, #tpu.memory_space<hbm>>
        tpu.enqueue_dma source(%arg8 : memref<8192xf32, #tpu.memory_space<vmem>>) target(%dma_start3A_70 : memref<8192xf32, #tpu.memory_space<hbm>>) target_semaphore(%run_scoped3A : memref<!tpu.dma_semaphore, #tpu.memory_space<semaphore_mem>>)
        %dma_wait3A_71 = arith.constant 0 : i32
        %dma_wait3A_72 = tpu.memref_slice %arg4[%add3A_24, %dma_wait3A_71] : memref<832x16384xf32, #tpu.memory_space<hbm>> -> memref<1x8192xf32, #tpu.memory_space<hbm>>
        %dma_wait3A_73 = tpu.memref_squeeze %dma_wait3A_72 : memref<1x8192xf32, #tpu.memory_space<hbm>> -> memref<8192xf32, #tpu.memory_space<hbm>>
        %dma_wait3A_74 = arith.constant 0 : i32
        %dma_wait3A_75 = tpu.memref_slice %arg4[%add3A_24, %dma_wait3A_74] : memref<832x16384xf32, #tpu.memory_space<hbm>> -> memref<1x8192xf32, #tpu.memory_space<hbm>>
        %dma_wait3A_76 = tpu.memref_squeeze %dma_wait3A_75 : memref<1x8192xf32, #tpu.memory_space<hbm>> -> memref<8192xf32, #tpu.memory_space<hbm>>
        tpu.wait_dma2 semaphore(%run_scoped3A : memref<!tpu.dma_semaphore, #tpu.memory_space<semaphore_mem>>) src(%arg8 : memref<8192xf32, #tpu.memory_space<vmem>>) dst(%dma_wait3A_76 : memref<8192xf32, #tpu.memory_space<hbm>>)
        tpu.yield
      }) : () -> ()
      %parallel_loop3A_46 = arith.constant 0 : i32
      %parallel_loop3A_47 = arith.constant 512 : i32
      %parallel_loop3A_48 = arith.constant 1 : i32
      scf.for %parallel_loop3A_65 = %parallel_loop3A_46 to %parallel_loop3A_47 step %parallel_loop3A_48  : i32 {
        %parallel_loop3A_66 = arith.constant 16 : i32
        %parallel_loop3A_67 = arith.muli %parallel_loop3A_65, %parallel_loop3A_66 : i32
        %parallel_loop3A_68 = arith.constant 8192 : i32
        %parallel_loop3A_69 = arith.addi %parallel_loop3A_68, %parallel_loop3A_67 : i32
        %parallel_loop3A_70 = arith.index_cast %parallel_loop3A_69 : i32 to index
        %parallel_loop3A_71 = tpu.vector_load %arg7[%parallel_loop3A_70] {strides = array<i32>} : memref<16384xi32, #tpu.memory_space<vmem>>, vector<16xi32>,
        %parallel_loop3A_72 = arith.constant 49919 : i32
        %parallel_loop3A_73 = vector.broadcast %parallel_loop3A_72 : i32 to vector<16xi32>
        %parallel_loop3A_74 = arith.minsi %parallel_loop3A_71, %parallel_loop3A_73 : vector<16xi32>
        %parallel_loop3A_75 = tpu.vector_load_idx %arg5[%parallel_loop3A_74] : memref<49920xf32, #tpu.memory_space<vmem>>[vector<16xi32>], vector<16xf32>,
        %parallel_loop3A_76 = arith.constant 16 : i32
        %parallel_loop3A_77 = arith.muli %parallel_loop3A_65, %parallel_loop3A_76 : i32
        %parallel_loop3A_78 = vector.broadcast %parallel_loop3A_77 : i32 to vector<16xi32>
        %parallel_loop3A_79 = arith.addi %iota3A, %parallel_loop3A_78 : vector<16xi32>
        %parallel_loop3A_80 = arith.constant 49920 : i32
        %parallel_loop3A_81 = vector.broadcast %parallel_loop3A_80 : i32 to vector<16xi32>
        %parallel_loop3A_82 = arith.cmpi slt, %parallel_loop3A_71, %parallel_loop3A_81 : vector<16xi32>
        tpu.vector_store_idx %arg8[%parallel_loop3A_79], %parallel_loop3A_75 masked %parallel_loop3A_82 : memref<8192xf32, #tpu.memory_space<vmem>>[vector<16xi32>], vector<16xf32>, vector<16xi1>
      } {sc.loop_unroll_factor = 8 : i64, sc.parallel_access}
      %add3A_49 = arith.constant 1 : i32
      %add3A_50 = arith.addi %scan3A_22, %add3A_49 : i32
      %lt3A = arith.constant 26 : i32
      %lt3A_51 = arith.cmpi slt, %add3A_50, %lt3A : i32
      %convert_element_type3A_52 = arith.extui %lt3A_51 : i1 to i32
      %cond3A_53 = arith.constant 0 : i32
      %cond3A_54 = arith.cmpi ne, %convert_element_type3A_52, %cond3A_53 : i32
      scf.if %cond3A_54 {
        %add3A_65 = arith.constant 1 : i32
        %add3A_66 = arith.addi %add3A_24, %add3A_65 : i32
        %shift_right_logical3A_67 = arith.constant 5 : i32
        %shift_right_logical3A_68 = arith.shrui %add3A_66, %shift_right_logical3A_67 : i32
        %and3A_69 = arith.constant 31 : i32
        %and3A_70 = arith.andi %add3A_66, %and3A_69 : i32
        %dma_start3A_71 = arith.constant 0 : i32
        %dma_start3A_72 = tpu.memref_slice %arg2[%shift_right_logical3A_68, %and3A_70, %dma_start3A_71] : memref<26x32x100000xf32, #tpu.memory_space<hbm>> -> memref<1x1x49920xf32, #tpu.memory_space<hbm>>
        %dma_start3A_73 = tpu.memref_squeeze %dma_start3A_72 : memref<1x1x49920xf32, #tpu.memory_space<hbm>> -> memref<49920xf32, #tpu.memory_space<hbm>>
        %dma_start3A_74 = arith.constant 0 : i32
        %dma_start3A_75 = tpu.memref_slice %arg2[%shift_right_logical3A_68, %and3A_70, %dma_start3A_74] : memref<26x32x100000xf32, #tpu.memory_space<hbm>> -> memref<1x1x49920xf32, #tpu.memory_space<hbm>>
        %dma_start3A_76 = tpu.memref_squeeze %dma_start3A_75 : memref<1x1x49920xf32, #tpu.memory_space<hbm>> -> memref<49920xf32, #tpu.memory_space<hbm>>
        tpu.enqueue_dma source(%dma_start3A_76 : memref<49920xf32, #tpu.memory_space<hbm>>) target(%arg5 : memref<49920xf32, #tpu.memory_space<vmem>>) target_semaphore(%arg9 : memref<!tpu.dma_semaphore, #tpu.memory_space<semaphore_mem>>)
      } else {
      }
      %parallel_loop3A_55 = arith.constant 0 : i32
      %parallel_loop3A_56 = arith.constant 512 : i32
      %parallel_loop3A_57 = arith.constant 1 : i32
      scf.for %parallel_loop3A_65 = %parallel_loop3A_55 to %parallel_loop3A_56 step %parallel_loop3A_57  : i32 {
        %parallel_loop3A_66 = arith.constant 16 : i32
        %parallel_loop3A_67 = arith.muli %parallel_loop3A_65, %parallel_loop3A_66 : i32
        %parallel_loop3A_68 = arith.constant 8192 : i32
        %parallel_loop3A_69 = arith.addi %parallel_loop3A_68, %parallel_loop3A_67 : i32
        %parallel_loop3A_70 = arith.index_cast %parallel_loop3A_69 : i32 to index
        %parallel_loop3A_71 = tpu.vector_load %arg7[%parallel_loop3A_70] {strides = array<i32>} : memref<16384xi32, #tpu.memory_space<vmem>>, vector<16xi32>,
        %parallel_loop3A_72 = arith.constant 49920 : i32
        %parallel_loop3A_73 = vector.broadcast %parallel_loop3A_72 : i32 to vector<16xi32>
        %parallel_loop3A_74 = arith.subi %parallel_loop3A_71, %parallel_loop3A_73 : vector<16xi32>
        %parallel_loop3A_75 = arith.constant 0 : i32
        %parallel_loop3A_76 = vector.broadcast %parallel_loop3A_75 : i32 to vector<16xi32>
        %parallel_loop3A_77 = arith.maxsi %parallel_loop3A_74, %parallel_loop3A_76 : vector<16xi32>
        %parallel_loop3A_78 = tpu.vector_load_idx %arg6[%parallel_loop3A_77] : memref<50080xf32, #tpu.memory_space<vmem>>[vector<16xi32>], vector<16xf32>,
        %parallel_loop3A_79 = arith.constant 16 : i32
        %parallel_loop3A_80 = arith.muli %parallel_loop3A_65, %parallel_loop3A_79 : i32
        %parallel_loop3A_81 = vector.broadcast %parallel_loop3A_80 : i32 to vector<16xi32>
        %parallel_loop3A_82 = arith.addi %iota3A, %parallel_loop3A_81 : vector<16xi32>
        %parallel_loop3A_83 = arith.constant 49920 : i32
        %parallel_loop3A_84 = vector.broadcast %parallel_loop3A_83 : i32 to vector<16xi32>
        %parallel_loop3A_85 = arith.cmpi sge, %parallel_loop3A_71, %parallel_loop3A_84 : vector<16xi32>
        tpu.vector_store_idx %arg8[%parallel_loop3A_82], %parallel_loop3A_78 masked %parallel_loop3A_85 : memref<8192xf32, #tpu.memory_space<vmem>>[vector<16xi32>], vector<16xf32>, vector<16xi1>
      } {sc.loop_unroll_factor = 8 : i64, sc.parallel_access}
      "tpu.region"() ({
        %run_scoped3A = tpu.sem_alloc : memref<!tpu.dma_semaphore, #tpu.memory_space<semaphore_mem>>
        %dma_start3A_65 = arith.constant 8192 : i32
        %dma_start3A_66 = tpu.memref_slice %arg4[%add3A_24, %dma_start3A_65] : memref<832x16384xf32, #tpu.memory_space<hbm>> -> memref<1x8192xf32, #tpu.memory_space<hbm>>
        %dma_start3A_67 = tpu.memref_squeeze %dma_start3A_66 : memref<1x8192xf32, #tpu.memory_space<hbm>> -> memref<8192xf32, #tpu.memory_space<hbm>>
        %dma_start3A_68 = arith.constant 8192 : i32
        %dma_start3A_69 = tpu.memref_slice %arg4[%add3A_24, %dma_start3A_68] : memref<832x16384xf32, #tpu.memory_space<hbm>> -> memref<1x8192xf32, #tpu.memory_space<hbm>>
        %dma_start3A_70 = tpu.memref_squeeze %dma_start3A_69 : memref<1x8192xf32, #tpu.memory_space<hbm>> -> memref<8192xf32, #tpu.memory_space<hbm>>
        tpu.enqueue_dma source(%arg8 : memref<8192xf32, #tpu.memory_space<vmem>>) target(%dma_start3A_70 : memref<8192xf32, #tpu.memory_space<hbm>>) target_semaphore(%run_scoped3A : memref<!tpu.dma_semaphore, #tpu.memory_space<semaphore_mem>>)
        %dma_wait3A_71 = arith.constant 8192 : i32
        %dma_wait3A_72 = tpu.memref_slice %arg4[%add3A_24, %dma_wait3A_71] : memref<832x16384xf32, #tpu.memory_space<hbm>> -> memref<1x8192xf32, #tpu.memory_space<hbm>>
        %dma_wait3A_73 = tpu.memref_squeeze %dma_wait3A_72 : memref<1x8192xf32, #tpu.memory_space<hbm>> -> memref<8192xf32, #tpu.memory_space<hbm>>
        %dma_wait3A_74 = arith.constant 8192 : i32
        %dma_wait3A_75 = tpu.memref_slice %arg4[%add3A_24, %dma_wait3A_74] : memref<832x16384xf32, #tpu.memory_space<hbm>> -> memref<1x8192xf32, #tpu.memory_space<hbm>>
        %dma_wait3A_76 = tpu.memref_squeeze %dma_wait3A_75 : memref<1x8192xf32, #tpu.memory_space<hbm>> -> memref<8192xf32, #tpu.memory_space<hbm>>
        tpu.wait_dma2 semaphore(%run_scoped3A : memref<!tpu.dma_semaphore, #tpu.memory_space<semaphore_mem>>) src(%arg8 : memref<8192xf32, #tpu.memory_space<vmem>>) dst(%dma_wait3A_76 : memref<8192xf32, #tpu.memory_space<hbm>>)
        tpu.yield
      }) : () -> ()
      %add3A_58 = arith.constant 1 : i32
      %add3A_59 = arith.addi %scan3A_22, %add3A_58 : i32
      %lt3A_60 = arith.constant 26 : i32
      %lt3A_61 = arith.cmpi slt, %add3A_59, %lt3A_60 : i32
      %convert_element_type3A_62 = arith.extui %lt3A_61 : i1 to i32
      %cond3A_63 = arith.constant 0 : i32
      %cond3A_64 = arith.cmpi ne, %convert_element_type3A_62, %cond3A_63 : i32
      scf.if %cond3A_64 {
        %add3A_65 = arith.constant 1 : i32
        %add3A_66 = arith.addi %add3A_24, %add3A_65 : i32
        %shift_right_logical3A_67 = arith.constant 5 : i32
        %shift_right_logical3A_68 = arith.shrui %add3A_66, %shift_right_logical3A_67 : i32
        %and3A_69 = arith.constant 31 : i32
        %and3A_70 = arith.andi %add3A_66, %and3A_69 : i32
        %dma_start3A_71 = arith.constant 49920 : i32
        %dma_start3A_72 = tpu.memref_slice %arg2[%shift_right_logical3A_68, %and3A_70, %dma_start3A_71] : memref<26x32x100000xf32, #tpu.memory_space<hbm>> -> memref<1x1x50080xf32, #tpu.memory_space<hbm>>
        %dma_start3A_73 = tpu.memref_squeeze %dma_start3A_72 : memref<1x1x50080xf32, #tpu.memory_space<hbm>> -> memref<50080xf32, #tpu.memory_space<hbm>>
        %dma_start3A_74 = arith.constant 49920 : i32
        %dma_start3A_75 = tpu.memref_slice %arg2[%shift_right_logical3A_68, %and3A_70, %dma_start3A_74] : memref<26x32x100000xf32, #tpu.memory_space<hbm>> -> memref<1x1x50080xf32, #tpu.memory_space<hbm>>
        %dma_start3A_76 = tpu.memref_squeeze %dma_start3A_75 : memref<1x1x50080xf32, #tpu.memory_space<hbm>> -> memref<50080xf32, #tpu.memory_space<hbm>>
        tpu.enqueue_dma source(%dma_start3A_76 : memref<50080xf32, #tpu.memory_space<hbm>>) target(%arg6 : memref<50080xf32, #tpu.memory_space<vmem>>) target_semaphore(%arg10 : memref<!tpu.dma_semaphore, #tpu.memory_space<semaphore_mem>>)
      } else {
      }
      scf.yield %shift_right_logical3A_26 : i32
    }
    %scan3A_21 = arith.constant 26 : i32
    return
  }
}

</mosaic_0001>

<sc_bundles>
// kernel: _sc_gather.3.cloned.1.call-start
scs
__scs_entry_jumppad:
0x0: {  	(pc) =	sbr.rel $0x88, $3  }
0x1: {  	(tag) =	ssettag $0x0;
	lr =	simm.s32 $0x1  }
0x2: {  	[smem:$0x3F9F] =	sst lr;
	_ =	strace $0xD0000000  }
0x3: {  	_ = 	snop  }
0x4: {  	_ = 	snop  }
0x5: {  	_ = 	snop  }
0x6: {  	_ = 	snop  }
0x7: {  	_ = 	snop  }
__scs_overlays_trampoline_lowered:
0x8: {  	[smem:$0x3FAE] =	sst s0  }
0x9: {  	[smem:$0x3FAF] =	sst s1  }
0xa: {  	[smem:$0x3FB0] =	sst s2  }
0xb: {  	[smem:$0x3FB1] =	sst s3  }
0xc: {  	[smem:$0x3FB2] =	sst s4  }
0xd: {  	[smem:$0x3FB3] =	sst s5  }
0xe: {  	[smem:$0x3FB4] =	sst s6  }
0xf: {  	[smem:$0x3FB5] =	sst s7  }
0x10: {  	[smem:$0x3FB6] =	sst s8  }
0x11: {  	[smem:$0x3FB7] =	sst s9;
	s0 =	simm.s32 @!p0 $0x0  }
0x12: {  	s1 =	sld [smem:$0x3F9D];
	s0 =	simm.s32 @p0 $0x1  }
0x13: {  	[smem:$0x3FB8] =	sst s0;
	s0 =	simm.s32 @!p1 $0x0  }
0x14: {  	s2 =	sld [smem:$0x3F9C];
	s0 =	simm.s32 @p1 $0x1  }
0x15: {  	[smem:$0x3FB9] =	sst s0;
	s0 =	simm.s32 @!p2 $0x0  }
0x16: {  	s3 =	sld [smem:$0x3FDB];
	s0 =	simm.s32 @p2 $0x1  }
0x17: {  	s4 =	simm.s32 $0x1BF5;
	[smem:$0x3FBB] =	sst s0  }
0x18: {  	s0 =	sld [smem:$0x3F9E];
	_ =	swait.ge [sflag:s4], $0x0  }
0x19: {  	s7 =	sld [smem:$0x3F9F]  }
0x1a: {  	s8 =	sadd.s32 $0xFFFFE003, lr  }
0x1b: {  	s9 =	sadd.s32 $0xFFFFFEF7, lr;
	s5 =	simm.s32 $0xFFFFFFFF;
	p2 =	slt.u32 s8, $0xFFFFF086  }
0x1c: {  	p1 =	slt.u32 s9, $0xF7A;
	s5 =	simm.s32 @!p2 $0x0  }
0x1d: {  	s5 =	simm.s32 @p1 $0x1;
	p0 =	seq.s32 s7, s2  }
0x1e: {  	s7 =	smul.u32 @!p0 $0xF7A, s2;
	p2 =	seq.s32 @!p0 s5, $0x0  }
0x1f: {  	s9 =	smul.u32 $0xF7A, s1;
	s8 =	simm.s32 @!p0 $0x1BF5;
	p2 =	por !p2, p0  }
0x20: {  	[sflag:s8] =	ssyncset.s32 @!p0 $0xFFFFF086;
	s6 =	sadd.s32 @!p0 s3, s7;
	s7 =	simm.s32 @!p0 $0x108  }
0x21: {  	s3 =	sadd.s32 s3, s9;
	s6 =	sadd.s32 @!p0 $0x88, s6;
	s7 =	simm.s32 @p2 $0x1082  }
0x22: {  	[simem:s7], [sflag:s8] =	dma.local @!p0 [hbm:s6], $0xF7A  }
0x23: {  	s9 =	sor.u32 $0xD0000000, s2;
	s6 =	simm.s32 $0x108;
	_ =	swait.ge @!p0 [sflag:s8], $0x0  }
0x24: {  	s3 =	sadd.s32 $0x88, s3;
	s6 =	simm.s32 @!p1 $0x1082;
	[sflag:s4] =	ssyncset.s32 $0xFFFFF086  }
0x25: {  	[simem:s6], [sflag:s4] =	dma.local [hbm:s3], $0xF7A  }
0x26: {  	[smem:$0x3F9F] =	sst s1;
	(tag) =	ssettag s2;
	_ =	strace s9  }
0x27: {  	s1 =	sld [smem:$0x3FAF]  }
0x28: {  	s2 =	sld [smem:$0x3FB0]  }
0x29: {  	s4 =	sld [smem:$0x3FB2]  }
0x2a: {  	p0 =	seq.s32 s5, $0x0;
	s5 =	sld [smem:$0x3FB3]  }
0x2b: {  	s6 =	sld [smem:$0x3FB4]  }
0x2c: {  	s7 =	sld [smem:$0x3FB5]  }
0x2d: {  	s3 =	simm.s32 $0x108;
	s8 =	sld [smem:$0x3FB6]  }
0x2e: {  	s3 =	simm.s32 @!p0 $0x1082;
	s9 =	sld [smem:$0x3FB7]  }
0x2f: {  	lr =	sadd.s32 s0, s3;
	s0 =	sld [smem:$0x3FAE]  }
0x30: {  	s3 =	sld [smem:$0x3FB1]  }
0x31: {  	[smem:$0x3FBA] =	sst s10  }
0x32: {  	s10 =	sld [smem:$0x3FB8];
	_ =	sdelay $0x3  }
0x33: {  	p0 =	seq.s32 s10, $0x1;
	s10 =	sld [smem:$0x3FBA];
	_ =	sdelay $0x3  }
0x34: {  	[smem:$0x3FBA] =	sst s10  }
0x35: {  	s10 =	sld [smem:$0x3FB9];
	_ =	sdelay $0x3  }
0x36: {  	p1 =	seq.s32 s10, $0x1;
	s10 =	sld [smem:$0x3FBA];
	_ =	sdelay $0x3  }
0x37: {  	[smem:$0x3FBA] =	sst s10  }
0x38: {  	s10 =	sld [smem:$0x3FBB]  }
0x39: {  	_ = 	snop;
	(pc) =	sbr.ind lr, $3  }
0x3a: {  	_ = 	snop  }
0x3b: {  	_ = 	snop  }
0x3c: {  	p2 =	seq.s32 s10, $0x1;
	s10 =	sld [smem:$0x3FBA]  }
0x3d: {  	_ =	shalt  }
0x3e: {  	_ =	shalt  }
0x3f: {  	_ =	shalt  }
0x40: {  	_ =	shalt  }
0x41: {  	_ =	shalt  }
0x42: {  	_ =	shalt  }
0x43: {  	_ =	shalt  }
0x44: {  	_ =	shalt  }
0x45: {  	_ =	shalt  }
0x46: {  	_ =	shalt  }
0x47: {  	_ =	shalt  }
0x48: {  	_ =	shalt  }
0x49: {  	_ =	shalt  }
0x4a: {  	_ =	shalt  }
0x4b: {  	_ =	shalt  }
0x4c: {  	_ =	shalt  }
0x4d: {  	_ =	shalt  }
0x4e: {  	_ =	shalt  }
0x4f: {  	_ =	shalt  }
0x50: {  	_ =	shalt  }
0x51: {  	_ =	shalt  }
0x52: {  	_ =	shalt  }
0x53: {  	_ =	shalt  }
0x54: {  	_ =	shalt  }
0x55: {  	_ =	shalt  }
0x56: {  	_ =	shalt  }
0x57: {  	_ =	shalt  }
0x58: {  	_ =	shalt  }
0x59: {  	_ =	shalt  }
0x5a: {  	_ =	shalt  }
0x5b: {  	_ =	shalt  }
0x5c: {  	_ =	shalt  }
0x5d: {  	_ =	shalt  }
0x5e: {  	_ =	shalt  }
0x5f: {  	_ =	shalt  }
0x60: {  	_ =	shalt  }
0x61: {  	_ =	shalt  }
0x62: {  	_ =	shalt  }
0x63: {  	_ =	shalt  }
0x64: {  	_ =	shalt  }
0x65: {  	_ =	shalt  }
0x66: {  	_ =	shalt  }
0x67: {  	_ =	shalt  }
0x68: {  	_ =	shalt  }
0x69: {  	_ =	shalt  }
0x6a: {  	_ =	shalt  }
0x6b: {  	_ =	shalt  }
0x6c: {  	_ =	shalt  }
0x6d: {  	_ =	shalt  }
0x6e: {  	_ =	shalt  }
0x6f: {  	_ =	shalt  }
0x70: {  	_ =	shalt  }
0x71: {  	_ =	shalt  }
0x72: {  	_ =	shalt  }
0x73: {  	_ =	shalt  }
0x74: {  	_ =	shalt  }
0x75: {  	_ =	shalt  }
0x76: {  	_ =	shalt  }
0x77: {  	_ =	shalt  }
0x78: {  	_ =	shalt  }
0x79: {  	_ =	shalt  }
0x7a: {  	_ =	shalt  }
0x7b: {  	_ =	shalt  }
0x7c: {  	_ =	shalt  }
0x7d: {  	_ =	shalt  }
0x7e: {  	_ =	shalt  }
0x7f: {  	_ =	shalt  }
0x80: {  	_ =	shalt  }
0x81: {  	_ =	shalt  }
0x82: {  	_ =	shalt  }
0x83: {  	_ =	shalt  }
0x84: {  	_ =	shalt  }
0x85: {  	_ =	shalt  }
0x86: {  	_ =	shalt  }
0x87: {  	_ =	shalt  }
.Lfunc_end0:
.L_simem_size_0:
called_computation_lowered:
.L_overlay_start_0:
0x88: {  	s2 =	sld [smem:$0x3FD9]  }
0x89: {  	s3 =	sld [smem:$0x3FFE];
	_ =	sdelay $0x1  }
0x8a: {  	s1 =	srdreg.scid  }
0x8b: {  	s0 =	sand.u32 $0x1, s1  }
0x8c: {  	s18 =	sshll.u32 s0, $0xA;
	s2 =	sadd.s32 s3, s2  }
0x8d: {  	s2 =	sadd.s32 s2, s18  }
0x8e: {  	[smem:$0x3FC6] =	sst s2  }
0x8f: {  	_ = 	snop  }
0x90: {  	s2 =	sld [smem:$0x3FC9]  }
0x91: {  	s19 =	sld [smem:$0x3FC8]  }
0x92: {  	s4 =	sld [smem:$0x3FD0];
	(tm) =	ssettm $0x1  }
0x93: {  	s5 =	sld [smem:$0x3FFB];
	_ =	sdelay $0x3  }
0x94: {  	_ =	strace s5  }
0x95: {  	s5 =	sld [smem:$0x3FFC];
	_ =	sdelay $0x3  }
0x96: {  	_ =	strace s5  }
0x97: {  	s5 =	sld [smem:$0x3FFD];
	_ =	sdelay $0x3  }
0x98: {  	_ =	strace s5  }
0x99: {  	_ =	strace $0x8FFFFFFF  }
0x9a: {  	s20 =	sld [smem:$0x3FDB];
	_ =	sdelay $0x1  }
0x9b: {  	s6 =	simm.s32 $_scs_section_size  }
0x9c: {  	s7 =	simm.s32 $_size__tile_overlayer_lowered;
	s8 =	simm.s32 $_tile_overlayer_lowered  }
0x9d: {  	s23 =	simm.s32 $0x1BFF;
	s22 =	sshll.u32 s8, $0x1;
	s5 =	sadd.s32 s6, s20  }
0x9e: {  	s9 =	simm.s32 $0x0;
	s21 =	sshll.u32 s7, $0x1;
	s7 =	sadd.s32 s22, s5  }
0x9f: {  	[timem:s9], [sflag:s23] =	dma.local [hbm:s7], s21  }
0xa0: {  	_ =	swait.ge [sflag:s23], s21  }
0xa1: {  	s6 =	ssub.s32 $0x0, s21;
	[sflag:s23] =	ssyncset.done $0x0  }
0xa2: {  	[sflag:s23] =	ssyncadd.s32 s6;
	_ =	sdelay $0x1  }
0xa3: {  	s24 =	simm.s32 $0x1B8B  }
0xa4: {  	_ =	swait.ge [sflag:s24], $0x1  }
0xa5: {  	[sflag:s24] =	ssyncset.done $0x0  }
0xa6: {  	s25 =	simm.s32 $0x1B8E;
	[sflag:s24] =	ssyncadd.s32 $0xFFFFFFFF  }
0xa7: {  	s26 =	simm.s32 $execute0_lowered;
	[smem:$0x3FD2] =	sst s25  }
0xa8: {  	s6 =	sshll.u32 s26, $0x1;
	_ =	strace $0x80000046;
	[dreg:$0x1] =	wrdreg $0xFFFFFFFF  }
0xa9: {  	s28 =	simm.s32 $_size_execute0_lowered;
	s5 =	sadd.s32 s5, s6;
	[dreg:$0x0] =	wrdreg $0x0  }
0xaa: {  	s6 =	sshll.u32 s28, $0x1;
	[dreg:$0x2] =	wrdreg s5  }
0xab: {  	[dreg:$0x3] =	wrdreg s6  }
0xac: {  	[dreg:$0x4] =	wrdreg $0xC0  }
0xad: {  	_ =	task [dreg:s9], $0x5FFFF  }
0xae: {  	[dreg:$0x1] =	wrdreg $0xFFFFFFFF  }
0xaf: {  	[dreg:$0x0] =	wrdreg $0x60  }
0xb0: {  	[dreg:$0x2] =	wrdreg s2  }
0xb1: {  	[dreg:$0x3] =	wrdreg s19  }
0xb2: {  	[dreg:$0x4] =	wrdreg s4  }
0xb3: {  	[dreg:$0x5] =	wrdreg $0x9  }
0xb4: {  	_ =	task.clear_ibuf [dreg:s9], $0x6FFFF;
	_ =	strace $0x90000046  }
0xb5: {  	s29 =	simm.s32 $0x9;
	_ =	strace $0x80000048  }
0xb6: {  	_ =	swait.ge [sflag:s29], $0x1  }
0xb7: {  	[sflag:s29] =	ssyncadd.s32 $0xFFFFFFFF  }
0xb8: {  	_ =	strace $0x90000048  }
0xb9: {  	_ =	sfence  }
0xba: {  	s30 =	sld [smem:$0x0];
	_ =	sdelay $0x2  }
0xbb: {  	s31 =	sshll.u32 s1, $0xD;
	s1 =	sshrl.u32 s1, $0x2  }
0xbc: {  	s3 =	sand.u32 $0x4000, s31;
	s1 =	sadd.s32 s1, s30  }
0xbd: {  	s0 =	sor.u32 s3, s0;
	s1 =	sshll.u32 s1, $0x11  }
0xbe: {  	s0 =	sor.u32 s1, s0  }
0xbf: {  	s0 =	sadd.s32 $0x8F2B, s0  }
0xc0: {  	[sflag:s0] =	ssyncadd.remote.s32 $0x1  }
0xc1: {  	_ =	sfence.sel $0xFFFF  }
0xc2: {  	[dreg:$0x0] =	wrdreg $0xFFFFFFFF;
	(pc) =	sbr.abs _section_cstart, $3  }
0xc3: {  	[dreg:$0x1] =	wrdreg $0xFFFFFFFF  }
0xc4: {  	_ =	task.clear_ibuf [dreg:s9], $0x2FFFF;
	_ =	strace $0x9FFFFFFF  }
0xc5: {  	(tm) =	ssettm $0x7FFFFFFF  }
tec
execute0_lowered:
.L_overlay_start_1:
0x0: {  	(tag) =	ssettag $0x1  }
0x1: {  	s1 =	srdreg.scid;
	s0 =	stileid.u32  }
0x2: {  	s2 =	rddreg [dreg:$0x0];
	s7 =	sand.u32 $0x1, s1;
	s24 =	sshll.u32 s0, $0x1  }
0x3: {  	s4 =	rddreg [dreg:$0x1];
	s6 =	sor.u32 s7, s24  }
0x4: {  	s12 =	simm.s32 $0x400;
	s13 =	simm.s32 $0xC300;
	s1 =	smul.u32 $0x1A, s6  }
0x5: {  	s14 =	simm.s32 $0x1;
	s15 =	simm.s32 $0x1C700;
	s16 =	simm.s32 $0x2  }
0x6: {  	s17 =	simm.s32 $0x3;
	s3 =	sshrl.u32 s1, $0x5;
	s5 =	sshrl.u32 s1, $0x3  }
0x7: {  	s18 =	simm.s32 $0x0;
	s8 =	smul.u32 $0x30E000, s3;
	s25 =	sand.u32 $0x3, s5  }
0x8: {  	s7 =	ssub.s32 $0x2, s7;
	s10 =	sshll.u32 s6, $0x8;
	s9 =	smul.u32 $0xC3800, s25  }
0x9: {  	s6 =	simm.s32 $0x0;
	s28 =	sshrl.u32 s7, $0x1;
	s26 =	sand.u32 $0x300, s10  }
0xa: {  	[smem:$0x7FF] =	sst s6;
	s11 =	ssub.s32 s7, s28;
	s8 =	sadd.s32 s8, s9  }
0xb: {  	v0 =	vlaneseq.u32;
	s10 =	smax.u32 s11, $0x1;
	s5 =	rddreg [dreg:$0x2];
	s8 =	sor.u32 s26, s8  }
0xc: {  	v1 =	vor.u32 $0x10, v0;
	s11 =	simm.s32 $0x80;
	s3 =	rddreg [dreg:$0x3];
	s29 =	sadd.s32 $0x61800, s8  }
0xd: {  	v2 =	vor.u32 $0x20, v0;
	v3 =	vor.u32 $0x30, v0;
	v4 =	vor.u32 $0x40, v0;
	_ =	strace $0x80000047;
	s30 =	sshrl.u32 s8, $0x3;
	s31 =	sshrl.u32 s29, $0x3  }
0xe: {  	v5 =	vor.u32 $0x50, v0;
	v6 =	vor.u32 $0x60, v0;
	v7 =	vor.u32 $0x70, v0;
	s9 =	sadd.s32 $0x2000, s5;
	s7 =	sadd.s32 s2, s30;
	s8 =	sadd.s32 s2, s31  }
.LBB2_1:
0xf: {  	[tilespmem:s6], [sflag:$0x1] =	stream.strided.gather [hbm4b:s7+s11], $0xC300, s12, s11, $0x38;
	[tilespmem:$0x1E700] =	vst v63  }
0x10: {  	s19 =	simm.s32 $0xFFFFFFFF;
	s20 =	simm.s32 $0x0  }
0x11: {  	[tilespmem:s13], [sflag:$0x2] =	stream.strided.gather [hbm4b:s8+s11], $0xC400, s12, s11, $0x38;
	[tilespmem:$0x1E700] =	vst v63  }
.LBB2_2:
0x12: {  	s21 =	sadd.s32 s1, s20  }
0x13: {  	s22 =	smov.u32 s19;
	s19 =	sshrl.u32 s21, $0x5  }
0x14: {  	p0 =	seq.s32 s19, s22  }
0x15: {  	s22 =	sshll.u32 @!p0 s21, $0x6  }
0x16: {  	s23 =	sshll.u32 @!p0 s19, $0x4;
	s22 =	sand.u32 @!p0 $0xFFFC000, s22  }
0x17: {  	s24 =	simm.s32 @!p0 $0x400;
	s23 =	sand.u32 @!p0 $0x70, s23;
	s22 =	sadd.s32 @!p0 s4, s22  }
0x18: {  	s25 =	simm.s32 @!p0 $0x18700;
	s22 =	sadd.s32 @!p0 s23, s22;
	s23 =	simm.s32 @!p0 $0x80  }
0x19: {  	[tilespmem:s25], [sflag:$0x3] =	stream.strided.gather @!p0 [hbm4b:s22+s23], $0x4000, s24, s23, $0x38;
	[tilespmem:$0x1E700] =	vst v63  }
0x1a: {  	s22 =	simm.s32 @!p0 $0x3  }
0x1b: {  	_ =	swait.ge @!p0 [sflag:s22], $0x4000  }
0x1c: {  	[sflag:s22] =	ssyncset.done @!p0 $0x0  }
0x1d: {  	[sflag:s22] =	ssyncadd.s32 @!p0 $0xFFFFC000  }
0x1e: {  	_ =	swait.ge [sflag:s14], $0xC300  }
0x1f: {  	[sflag:s14] =	ssyncset.done $0x0  }
0x20: {  	s29 =	simm.s32 $0x18740;
	[sflag:s14] =	ssyncadd.s32 $0xFFFF3D00  }
0x21: {  	v8 =	vld [tilespmem:s29+$0x30]  }
0x22: {  	v9 =	vld [tilespmem:s29+$0xFFFFFFD0]  }
0x23: {  	v10 =	vld [tilespmem:s29+$0xFFFFFFE0]  }
0x24: {  	v11 =	vld [tilespmem:s29+$0xFFFFFFF0]  }
0x25: {  	v12 =	vld [tilespmem:s29+$0x0]  }
0x26: {  	s30 =	simm.s32 $0x0;
	v15 =	vld [tilespmem:s29+$0x10]  }
0x27: {  	v20 =	vmov s30;
	v17 =	vld [tilespmem:s29+$0x20];
	vm0 =	vlt.s32 v8, $0xC2FF;
	vm1 =	vlt.s32 v9, $0xC2FF  }
0x28: {  	s31 =	simm.s32 $0x187C0;
	v19 =	vld [tilespmem:s29+$0xFFFFFFC0];
	v13 =	vnsel vm0, $0xC2FF, v8;
	v14 =	vnsel vm1, $0xC2FF, v9;
	vm0 =	vlt.s32 v10, $0xC2FF  }
0x29: {  	v20 =	vshrl.u32 v20, $0x7;
	v26 =	vld [tilespmem:s31+$0xFFFFFFE0];
	v16 =	vnsel vm0, $0xC2FF, v10  }
0x2a: {  	v20 =	vshll.u32 v20, $0x7;
	v32 =	vld [tilespmem:s31+$0x20];
	vm3 =	vlt.s32 v9, $0xC300;
	vm8 =	vlt.s32 v8, $0xC300  }
0x2b: {  	v28 =	vld [tilespmem:s31+$0xFFFFFFF0];
	vm7 =	vlt.s32 v10, $0xC300;
	vm5 =	vlt.s32 v11, $0xC300;
	vm0 =	vlt.s32 v11, $0xC2FF  }
0x2c: {  	vm4 =	vlt.s32 v12, $0xC300;
	v18 =	vnsel vm0, $0xC2FF, v11;
	vm0 =	vlt.s32 v12, $0xC2FF;
	v11 =	vld [tilespmem:s31+$0xFFFFFFD0]  }
0x2d: {  	vm2 =	vlt.s32 v17, $0xC300;
	v21 =	vnsel vm0, $0xC2FF, v12;
	vm0 =	vlt.s32 v15, $0xC2FF;
	v22 =	vld.idx.msk [tilespmem:v14+s6+$0x0], $0xffff  }
0x2e: {  	v14 =	vbroadcast v20, $0x0;
	v20 =	vld.idx.msk [tilespmem:v16+s6+$0x0], $0xffff;
	v16 =	vnsel vm0, $0xC2FF, v15;
	vm0 =	vlt.s32 v17, $0xC2FF  }
0x2f: {  	vm10 =	vlt.s32 v32, $0xC300;
	vm1 =	vlt.s32 v19, $0xC2FF;
	v10 =	vld [tilespmem:s31+$0x30];
	v23 =	vnsel vm0, $0xC2FF, v17  }
0x30: {  	v29 =	vld [tilespmem:s31+$0x0];
	v24 =	vor.u32 v7, v14;
	vm0 =	vlt.s32 v19, $0xC300;
	v12 =	vor.u32 v0, v14  }
0x31: {  	v13 =	vld.idx.msk [tilespmem:v13+s6+$0x0], $0xffff;
	v17 =	vor.u32 v2, v14;
	v27 =	vor.u32 v4, v14;
	v9 =	vor.u32 v5, v14  }
0x32: {  	v8 =	vor.u32 v6, v14;
	vm9 =	vlt.s32 v11, $0xC2FF;
	v25 =	vld.idx.msk [tilespmem:v21+s6+$0x0], $0xffff;
	v21 =	vnsel vm1, $0xC2FF, v19  }
0x33: {  	v30 =	vld [tilespmem:s31+$0x10];
	vm1 =	vlt.s32 v15, $0xC300;
	v15 =	vor.u32 v1, v14;
	v19 =	vor.u32 v3, v14  }
0x34: {  	s22 =	simm.s32 $0x80;
	v33 =	vld [tilespmem:s31+$0xFFFFFFC0];
	vm6 =	vmmov vm0;
	vm0 =	vmmov vm2;
	vm2 =	vlt.s32 v10, $0xC2FF  }
0x35: {  	v18 =	vld.idx.msk [tilespmem:v18+s6+$0x0], $0xffff;
	v14 =	vmov s22;
	v31 =	vnsel vm2, $0xC2FF, v10;
	vm2 =	vlt.s32 v11, $0xC300  }
0x36: {  	v11 =	vnsel vm9, $0xC2FF, v11;
	vm9 =	vlt.s32 v26, $0xC2FF;
	v14 =	vshrl.u32 v14, $0x7  }
0x37: {  	v34 =	vnsel vm9, $0xC2FF, v26;
	vm9 =	vlt.s32 v28, $0xC2FF;
	[tilespmem:v24+s15+$0x0] =	vst.idx.msk vm8, v13;
	v13 =	vshll.u32 v14, $0x7;
	v14 =	vld.idx.msk [tilespmem:v16+s6+$0x0], $0xffff  }
0x38: {  	vm1 =	vmmov vm1;
	v63 =	vnsel vm9, $0xC2FF, v28;
	vm8 =	vlt.s32 v29, $0xC2FF;
	v16 =	vld.idx.msk [tilespmem:v23+s6+$0x0], $0xffff;
	[tilespmem:v17+s15+$0x0] =	vst.idx.msk vm7, v20  }
0x39: {  	vm9 =	vlt.s32 v30, $0xC300;
	v35 =	vld.idx.msk [tilespmem:v21+s6+$0x0], $0xffff;
	[tilespmem:v15+s15+$0x0] =	vst.idx.msk vm3, v22;
	v15 =	vbroadcast v13, $0x0;
	v36 =	vnsel vm8, $0xC2FF, v29  }
0x3a: {  	vm7 =	vlt.s32 v10, $0xC300;
	vm3 =	vlt.s32 v30, $0xC2FF;
	[tilespmem:v19+s15+$0x0] =	vst.idx.msk vm5, v18;
	vm5 =	vlt.s32 v33, $0xC2FF;
	v21 =	vld.idx.msk [tilespmem:v31+s6+$0x0], $0xffff  }
0x3b: {  	[tilespmem:v27+s15+$0x0] =	vst.idx.msk vm4, v25;
	vm8 =	vlt.s32 v33, $0xC300;
	vm4 =	vlt.s32 v28, $0xC300;
	v17 =	vld.idx.msk [tilespmem:v11+s6+$0x0], $0xffff;
	v22 =	vor.u32 v7, v15  }
0x3c: {  	v10 =	vnsel vm3, $0xC2FF, v30;
	vm3 =	vlt.s32 v32, $0xC2FF;
	v13 =	vnsel vm5, $0xC2FF, v33;
	v19 =	vld.idx.msk [tilespmem:v34+s6+$0x0], $0xffff  }
0x3d: {  	vm5 =	vlt.s32 v26, $0xC300;
	v11 =	vnsel vm3, $0xC2FF, v32;
	vm3 =	vlt.s32 v29, $0xC300;
	v18 =	vld.idx.msk [tilespmem:v63+s6+$0x0], $0xffff  }
0x3e: {  	s23 =	simm.s32 $0x8;
	s24 =	simm.s32 $0x18840;
	v23 =	vor.u32 v1, v15;
	[tilespmem:v12+s15+$0x0] =	vst.idx.msk vm6, v35;
	v12 =	vor.u32 v0, v15;
	v20 =	vld.idx.msk [tilespmem:v36+s6+$0x0], $0xffff  }
.LBB2_3:
0x3f: {  	v24 =	vld [tilespmem:s24+$0x30];
	s23 =	sadd.s32 $0x8, s23;
	v25 =	vor.u32 v2, v15;
	v26 =	vor.u32 v3, v15;
	v27 =	vor.u32 v4, v15  }
0x40: {  	v29 =	vor.u32 v5, v15;
	v15 =	vor.u32 v6, v15;
	vm6 =	vmmov vm8;
	v28 =	vld [tilespmem:s24+$0xFFFFFFD0];
	p0 =	slt.u32 s23, $0x1F8;
	[tilespmem:v22+s15+$0x0] =	vst.idx.msk vm7, v21  }
0x41: {  	v30 =	vld [tilespmem:s24+$0xFFFFFFE0];
	[tilespmem:v9+s15+$0x0] =	vst.idx.msk vm1, v14;
	v9 =	vmov v29;
	vm1 =	vmmov vm9  }
0x42: {  	v29 =	vld [tilespmem:s24+$0xFFFFFFF0];
	[tilespmem:v8+s15+$0x0] =	vst.idx.msk vm0, v16;
	v8 =	vmov v15;
	vm0 =	vmmov vm10  }
0x43: {  	v31 =	vld [tilespmem:s24+$0x0];
	[tilespmem:v23+s15+$0x0] =	vst.idx.msk vm2, v17  }
0x44: {  	v23 =	vld [tilespmem:s24+$0x10];
	vm7 =	vlt.s32 v24, $0xC2FF;
	[tilespmem:v25+s15+$0x0] =	vst.idx.msk vm5, v19  }
0x45: {  	s22 =	sadd.s32 $0x80, s22;
	vm5 =	vlt.s32 v28, $0xC2FF;
	vm2 =	vlt.s32 v28, $0xC300;
	v25 =	vld [tilespmem:s24+$0x20];
	v17 =	vnsel vm7, $0xC2FF, v24;
	[tilespmem:v26+s15+$0x0] =	vst.idx.msk vm4, v18  }
0x46: {  	v14 =	vmov s22;
	v18 =	vld [tilespmem:s24+$0xFFFFFFC0];
	v19 =	vnsel vm5, $0xC2FF, v28;
	vm4 =	vlt.s32 v30, $0xC2FF;
	[tilespmem:v27+s15+$0x0] =	vst.idx.msk vm3, v20  }
0x47: {  	v14 =	vshrl.u32 v14, $0x7;
	v20 =	vnsel vm4, $0xC2FF, v30;
	vm3 =	vlt.s32 v29, $0xC2FF;
	v26 =	vld.idx.msk [tilespmem:v13+s6+$0x0], $0xffff  }
0x48: {  	v13 =	vshll.u32 v14, $0x7;
	v27 =	vnsel vm3, $0xC2FF, v29;
	vm3 =	vlt.s32 v31, $0xC2FF;
	v14 =	vld.idx.msk [tilespmem:v10+s6+$0x0], $0xffff  }
0x49: {  	v15 =	vbroadcast v13, $0x0;
	v28 =	vnsel vm3, $0xC2FF, v31;
	vm3 =	vlt.s32 v23, $0xC2FF;
	v16 =	vld.idx.msk [tilespmem:v11+s6+$0x0], $0xffff  }
.Ltmp0:
0x4a: {  	vm7 =	vlt.s32 v24, $0xC300;
	v10 =	vnsel vm3, $0xC2FF, v23;
	vm3 =	vlt.s32 v25, $0xC2FF;
	v21 =	vld.idx.msk [tilespmem:v17+s6+$0x0], $0xffff;
	(pc) =	sbr.rel @p0 .LBB2_3-.Ltmp0, $4  }
0x4b: {  	v22 =	vor.u32 v7, v15;
	vm4 =	vlt.s32 v18, $0xC2FF;
	v17 =	vld.idx.msk [tilespmem:v19+s6+$0x0], $0xffff;
	v11 =	vnsel vm3, $0xC2FF, v25  }
0x4c: {  	vm5 =	vlt.s32 v30, $0xC300;
	vm8 =	vlt.s32 v18, $0xC300;
	v13 =	vnsel vm4, $0xC2FF, v18;
	v19 =	vld.idx.msk [tilespmem:v20+s6+$0x0], $0xffff  }
0x4d: {  	vm9 =	vlt.s32 v23, $0xC300;
	vm3 =	vlt.s32 v31, $0xC300;
	vm4 =	vlt.s32 v29, $0xC300;
	v18 =	vld.idx.msk [tilespmem:v27+s6+$0x0], $0xffff;
	[tilespmem:v12+s15+$0x0] =	vst.idx.msk vm6, v26  }
0x4e: {  	s24 =	sadd.s32 $0x80, s24;
	v23 =	vor.u32 v1, v15;
	vm10 =	vlt.s32 v25, $0xC300;
	v12 =	vor.u32 v0, v15;
	v20 =	vld.idx.msk [tilespmem:v28+s6+$0x0], $0xffff  }
0x4f: {  	_ =	sdelay $0x3  }
0x50: {  	v24 =	vor.u32 v2, v15  }
0x51: {  	v25 =	vor.u32 v3, v15;
	[tilespmem:v22+s15+$0x0] =	vst.idx.msk vm7, v21  }
0x52: {  	v21 =	vor.u32 v4, v15;
	[tilespmem:v9+s15+$0x0] =	vst.idx.msk vm1, v14  }
0x53: {  	[tilespmem:v8+s15+$0x0] =	vst.idx.msk vm0, v16;
	v8 =	vld.idx.msk [tilespmem:v13+s6+$0x0], $0xffff  }
0x54: {  	v9 =	vor.u32 v5, v15;
	v10 =	vld.idx.msk [tilespmem:v10+s6+$0x0], $0xffff;
	[tilespmem:v23+s15+$0x0] =	vst.idx.msk vm2, v17  }
0x55: {  	v13 =	vor.u32 v6, v15;
	v11 =	vld.idx.msk [tilespmem:v11+s6+$0x0], $0xffff;
	[tilespmem:v24+s15+$0x0] =	vst.idx.msk vm5, v19  }
0x56: {  	[tilespmem:v25+s15+$0x0] =	vst.idx.msk vm4, v18  }
0x57: {  	[tilespmem:v21+s15+$0x0] =	vst.idx.msk vm3, v20  }
0x58: {  	[tilespmem:v12+s15+$0x0] =	vst.idx.msk vm8, v8  }
0x59: {  	[tilespmem:v9+s15+$0x0] =	vst.idx.msk vm9, v10  }
0x5a: {  	[tilespmem:v13+s15+$0x0] =	vst.idx.msk vm10, v11  }
0x5b: {  	_ =	swait.ge [sflag:s16], $0xC400  }
0x5c: {  	[sflag:s16] =	ssyncset.done $0x0  }
0x5d: {  	s22 =	simm.s32 $0x18740;
	[sflag:s16] =	ssyncadd.s32 $0xFFFF3C00  }
0x5e: {  	v8 =	vld [tilespmem:s22+$0x30]  }
0x5f: {  	v9 =	vld [tilespmem:s22+$0xFFFFFFD0]  }
0x60: {  	s23 =	simm.s32 $0x0;
	v10 =	vld [tilespmem:s22+$0xFFFFFFE0]  }
0x61: {  	v18 =	vmov s23;
	v11 =	vld [tilespmem:s22+$0xFFFFFFF0]  }
0x62: {  	v18 =	vshrl.u32 v18, $0x7;
	v12 =	vld [tilespmem:s22+$0x0]  }
0x63: {  	v18 =	vshll.u32 v18, $0x7;
	v13 =	vld [tilespmem:s22+$0x10]  }
0x64: {  	v18 =	vbroadcast v18, $0x0;
	v16 =	vld [tilespmem:s22+$0xFFFFFFC0]  }
0x65: {  	vm6 =	vmmov vm8;
	vm1 =	vmmov vm9;
	vm0 =	vmmov vm10  }
0x66: {  	v26 =	vor.u32 v7, v18;
	v35 =	vor.u32 v0, v18;
	v36 =	vor.u32 v1, v18  }
0x67: {  	v14 =	vadd.s32 $0xFFFF3D00, v8;
	v15 =	vadd.s32 $0xFFFF3D00, v9;
	vm1 =	vgt.s32 v9, $0xC2FF  }
0x68: {  	v17 =	vadd.s32 $0xFFFF3D00, v10;
	v19 =	vadd.s32 $0xFFFF3D00, v11;
	v20 =	vadd.s32 $0xFFFF3D00, v12  }
0x69: {  	v21 =	vadd.s32 $0xFFFF3D00, v13;
	v23 =	vadd.s32 $0xFFFF3D00, v16;
	vm6 =	vgt.s32 v8, $0xC2FF  }
0x6a: {  	v9 =	vld [tilespmem:s22+$0x20];
	vm9 =	vgt.s32 v16, $0xC2FF;
	v16 =	vor.u32 v2, v18;
	v8 =	vor.u32 v6, v18  }
0x6b: {  	vm0 =	vgt.s32 v14, $0x0;
	vm2 =	vgt.s32 v15, $0x0;
	vm3 =	vgt.s32 v19, $0x0  }
0x6c: {  	vm4 =	vgt.s32 v20, $0x0;
	vm5 =	vgt.s32 v21, $0x0;
	vm8 =	vgt.s32 v23, $0x0  }
0x6d: {  	s31 =	simm.s32 $0x187C0;
	v14 =	vnsel vm0, $0x0, v14;
	vm0 =	vgt.s32 v17, $0x0;
	v24 =	vnsel vm2, $0x0, v15  }
0x6e: {  	v25 =	vld [tilespmem:s31+$0xFFFFFFC0];
	v23 =	vnsel vm8, $0x0, v23;
	v19 =	vnsel vm3, $0x0, v19;
	v20 =	vnsel vm4, $0x0, v20  }
0x6f: {  	v29 =	vnsel vm5, $0x0, v21;
	vm2 =	vgt.s32 v11, $0xC2FF;
	v11 =	vld [tilespmem:s31+$0xFFFFFFE0];
	v22 =	vadd.s32 $0xFFFF3D00, v9  }
0x70: {  	s22 =	simm.s32 $0x80;
	vm5 =	vgt.s32 v13, $0xC2FF;
	v13 =	vor.u32 v3, v18;
	v15 =	vld [tilespmem:s31+$0x10];
	vm7 =	vgt.s32 v22, $0x0  }
0x71: {  	v21 =	vmov s22;
	v27 =	vnsel vm0, $0x0, v17;
	v34 =	vnsel vm7, $0x0, v22;
	v22 =	vld [tilespmem:s31+$0x30]  }
0x72: {  	vm0 =	vgt.s32 v10, $0xC2FF;
	v17 =	vld [tilespmem:s31+$0xFFFFFFD0];
	vm2 =	vmmov vm2;
	v21 =	vshrl.u32 v21, $0x7  }
0x73: {  	v10 =	vor.u32 v4, v18;
	v21 =	vshll.u32 v21, $0x7;
	vm4 =	vgt.s32 v9, $0xC2FF;
	v28 =	vld.idx.msk [tilespmem:v14+s13+$0x0], $0xffff  }
0x74: {  	v9 =	vor.u32 v5, v18;
	v21 =	vbroadcast v21, $0x0;
	vm7 =	vmmov vm1;
	v14 =	vld [tilespmem:s31+$0xFFFFFFF0]  }
0x75: {  	vm1 =	vgt.s32 v12, $0xC2FF;
	v12 =	vld [tilespmem:s31+$0x0];
	v37 =	vadd.s32 $0xFFFF3D00, v11;
	v42 =	vadd.s32 $0xFFFF3D00, v15  }
0x76: {  	v39 =	vld.idx.msk [tilespmem:v23+s13+$0x0], $0xffff;
	vm3 =	vmmov vm1;
	vm1 =	vmmov vm5;
	v18 =	vadd.s32 $0xFFFF3D00, v22  }
0x77: {  	v33 =	vadd.s32 $0xFFFF3D00, v17;
	vm5 =	vgt.s32 v17, $0xC2FF;
	v17 =	vld [tilespmem:s31+$0x20];
	vm8 =	vgt.s32 v18, $0x0  }
0x78: {  	v31 =	vld.idx.msk [tilespmem:v19+s13+$0x0], $0xffff;
	v19 =	vadd.s32 $0xFFFF3D00, v25;
	vm11 =	vgt.s32 v37, $0x0;
	v18 =	vnsel vm8, $0x0, v18  }
0x79: {  	v41 =	vld.idx.msk [tilespmem:v24+s13+$0x0], $0xffff;
	vm14 =	vgt.s32 v42, $0x0;
	vm10 =	vgt.s32 v33, $0x0;
	v23 =	vnsel vm11, $0x0, v37  }
0x7a: {  	v29 =	vld.idx.msk [tilespmem:v29+s13+$0x0], $0xffff;
	v24 =	vnsel vm10, $0x0, v33;
	v33 =	vor.u32 v7, v21;
	v38 =	vadd.s32 $0xFFFF3D00, v14  }
0x7b: {  	v32 =	vld.idx.msk [tilespmem:v27+s13+$0x0], $0xffff;
	v40 =	vadd.s32 $0xFFFF3D00, v12;
	[tilespmem:v26+s15+$0x0] =	vst.idx.msk vm6, v28;
	vm6 =	vgt.s32 v19, $0x0;
	vm12 =	vgt.s32 v38, $0x0  }
0x7c: {  	v27 =	vld.idx.msk [tilespmem:v20+s13+$0x0], $0xffff;
	vm13 =	vgt.s32 v40, $0x0;
	v43 =	vadd.s32 $0xFFFF3D00, v17;
	vm8 =	vgt.s32 v22, $0xC2FF  }
0x7d: {  	[tilespmem:v35+s15+$0x0] =	vst.idx.msk vm9, v39;
	v26 =	vnsel vm6, $0x0, v19;
	v19 =	vnsel vm14, $0x0, v42;
	vm15 =	vgt.s32 v43, $0x0;
	v30 =	vld.idx.msk [tilespmem:v18+s13+$0x0], $0xffff  }
0x7e: {  	s24 =	simm.s32 $0x18840;
	s23 =	simm.s32 $0x8;
	v28 =	vld.idx.msk [tilespmem:v34+s13+$0x0], $0xffff;
	[tilespmem:v36+s15+$0x0] =	vst.idx.msk vm7, v41;
	v22 =	vnsel vm12, $0x0, v38;
	v20 =	vnsel vm13, $0x0, v40;
	v18 =	vnsel vm15, $0x0, v43  }
.LBB2_5:
0x7f: {  	vm7 =	vgt.s32 v25, $0xC2FF;
	vm10 =	vgt.s32 v14, $0xC2FF  }
0x80: {  	v34 =	vld [tilespmem:s24+$0x30];
	s23 =	sadd.s32 $0x8, s23;
	[tilespmem:v16+s15+$0x0] =	vst.idx.msk vm0, v32;
	vm0 =	vgt.s32 v11, $0xC2FF;
	vm9 =	vmmov vm4;
	vm6 =	vmmov vm5  }
0x81: {  	vm5 =	vgt.s32 v12, $0xC2FF;
	vm11 =	vgt.s32 v15, $0xC2FF;
	vm4 =	vgt.s32 v17, $0xC2FF;
	v25 =	vld [tilespmem:s24+$0xFFFFFFD0];
	p0 =	slt.u32 s23, $0x1F8;
	[tilespmem:v13+s15+$0x0] =	vst.idx.msk vm2, v31  }
0x82: {  	v35 =	vor.u32 v0, v21;
	v36 =	vor.u32 v1, v21;
	vm2 =	vmmov vm10;
	v11 =	vld [tilespmem:s24+$0xFFFFFFE0];
	[tilespmem:v33+s15+$0x0] =	vst.idx.msk vm8, v30  }
0x83: {  	v16 =	vor.u32 v2, v21;
	v15 =	vor.u32 v4, v21;
	v13 =	vor.u32 v3, v21;
	v14 =	vld [tilespmem:s24+$0xFFFFFFF0]  }
0x84: {  	v17 =	vor.u32 v5, v21;
	v21 =	vor.u32 v6, v21;
	v12 =	vld [tilespmem:s24+$0x0];
	[tilespmem:v10+s15+$0x0] =	vst.idx.msk vm3, v27;
	v10 =	vmov v15  }
0x85: {  	vm3 =	vmmov vm5;
	v15 =	vld [tilespmem:s24+$0x10];
	v27 =	vadd.s32 $0xFFFF3D00, v34;
	[tilespmem:v9+s15+$0x0] =	vst.idx.msk vm1, v29;
	v9 =	vmovc v17;
	vm1 =	vmmov vm11  }
0x86: {  	v29 =	vadd.s32 $0xFFFF3D00, v25;
	vm5 =	vgt.s32 v25, $0xC2FF;
	v17 =	vld [tilespmem:s24+$0x20];
	vm8 =	vgt.s32 v27, $0x0;
	[tilespmem:v8+s15+$0x0] =	vst.idx.msk vm9, v28;
	v8 =	vmovc v21  }
0x87: {  	s22 =	sadd.s32 $0x80, s22;
	v25 =	vld [tilespmem:s24+$0xFFFFFFC0];
	vm9 =	vgt.s32 v29, $0x0;
	v28 =	vadd.s32 $0xFFFF3D00, v11;
	v27 =	vnsel vm8, $0x0, v27  }
0x88: {  	v21 =	vmov s22;
	vm10 =	vgt.s32 v28, $0x0;
	v37 =	vadd.s32 $0xFFFF3D00, v14;
	v38 =	vld.idx.msk [tilespmem:v26+s13+$0x0], $0xffff  }
0x89: {  	v21 =	vshrl.u32 v21, $0x7;
	vm11 =	vgt.s32 v37, $0x0;
	v39 =	vadd.s32 $0xFFFF3D00, v12;
	v40 =	vld.idx.msk [tilespmem:v24+s13+$0x0], $0xffff  }
0x8a: {  	v21 =	vshll.u32 v21, $0x7;
	vm12 =	vgt.s32 v39, $0x0;
	v41 =	vadd.s32 $0xFFFF3D00, v15;
	v32 =	vld.idx.msk [tilespmem:v23+s13+$0x0], $0xffff  }
.Ltmp1:
0x8b: {  	v21 =	vbroadcast v21, $0x0;
	vm13 =	vgt.s32 v41, $0x0;
	v42 =	vadd.s32 $0xFFFF3D00, v17;
	v31 =	vld.idx.msk [tilespmem:v22+s13+$0x0], $0xffff;
	(pc) =	sbr.rel @p0 .LBB2_5-.Ltmp1, $4  }
0x8c: {  	vm8 =	vgt.s32 v34, $0xC2FF;
	v22 =	vadd.s32 $0xFFFF3D00, v25;
	vm14 =	vgt.s32 v42, $0x0;
	v30 =	vld.idx.msk [tilespmem:v27+s13+$0x0], $0xffff  }
0x8d: {  	v24 =	vnsel vm9, $0x0, v29;
	v33 =	vor.u32 v7, v21;
	vm15 =	vgt.s32 v22, $0x0;
	v27 =	vld.idx.msk [tilespmem:v20+s13+$0x0], $0xffff  }
0x8e: {  	v23 =	vnsel vm10, $0x0, v28;
	v26 =	vnsel vm15, $0x0, v22;
	v22 =	vnsel vm11, $0x0, v37;
	[tilespmem:v35+s15+$0x0] =	vst.idx.msk vm7, v38;
	v29 =	vld.idx.msk [tilespmem:v19+s13+$0x0], $0xffff  }
0x8f: {  	s24 =	sadd.s32 $0x80, s24;
	v20 =	vnsel vm12, $0x0, v39;
	v19 =	vnsel vm13, $0x0, v41;
	[tilespmem:v36+s15+$0x0] =	vst.idx.msk vm6, v40;
	v28 =	vld.idx.msk [tilespmem:v18+s13+$0x0], $0xffff;
	v18 =	vnsel vm14, $0x0, v42  }
0x90: {  	_ =	sdelay $0x3  }
0x91: {  	vm4 =	vmmov vm4  }
0x92: {  	vm6 =	vgt.s32 v25, $0xC2FF;
	[tilespmem:v16+s15+$0x0] =	vst.idx.msk vm0, v32  }
0x93: {  	vm0 =	vmmov vm5;
	[tilespmem:v13+s15+$0x0] =	vst.idx.msk vm2, v31;
	v13 =	vor.u32 v0, v21;
	v16 =	vld.idx.msk [tilespmem:v26+s13+$0x0], $0xffff  }
0x94: {  	vm2 =	vgt.s32 v11, $0xC2FF;
	vm5 =	vgt.s32 v14, $0xC2FF;
	v11 =	vor.u32 v1, v21;
	v14 =	vld.idx.msk [tilespmem:v24+s13+$0x0], $0xffff;
	[tilespmem:v33+s15+$0x0] =	vst.idx.msk vm8, v30  }
0x95: {  	vm7 =	vgt.s32 v12, $0xC2FF;
	v12 =	vor.u32 v2, v21;
	vm5 =	vmmov vm5;
	[tilespmem:v10+s15+$0x0] =	vst.idx.msk vm3, v27;
	v10 =	vld.idx.msk [tilespmem:v23+s13+$0x0], $0xffff  }
0x96: {  	vm3 =	vgt.s32 v15, $0xC2FF;
	v15 =	vor.u32 v3, v21;
	[tilespmem:v9+s15+$0x0] =	vst.idx.msk vm1, v29;
	vm1 =	vmmov vm7;
	v9 =	vld.idx.msk [tilespmem:v22+s13+$0x0], $0xffff  }
0x97: {  	vm7 =	vgt.s32 v17, $0xC2FF;
	v17 =	vor.u32 v4, v21;
	vm3 =	vmmov vm3;
	[tilespmem:v8+s15+$0x0] =	vst.idx.msk vm4, v28;
	v8 =	vld.idx.msk [tilespmem:v20+s13+$0x0], $0xffff  }
0x98: {  	v20 =	vor.u32 v5, v21;
	[tilespmem:v13+s15+$0x0] =	vst.idx.msk vm6, v16;
	v13 =	vld.idx.msk [tilespmem:v19+s13+$0x0], $0xffff  }
0x99: {  	v16 =	vor.u32 v6, v21;
	[tilespmem:v11+s15+$0x0] =	vst.idx.msk vm0, v14;
	v11 =	vld.idx.msk [tilespmem:v18+s13+$0x0], $0xffff  }
0x9a: {  	[tilespmem:v12+s15+$0x0] =	vst.idx.msk vm2, v10  }
0x9b: {  	s22 =	sshll.u32 s21, $0xB;
	s23 =	sshll.u32 s21, $0x4;
	[tilespmem:v15+s15+$0x0] =	vst.idx.msk vm5, v9  }
0x9c: {  	s22 =	sand.u32 $0xFFFC000, s22;
	s23 =	sand.u32 $0x70, s23;
	[tilespmem:v17+s15+$0x0] =	vst.idx.msk vm1, v8  }
0x9d: {  	s22 =	sor.u32 s23, s22;
	[tilespmem:v20+s15+$0x0] =	vst.idx.msk vm3, v13  }
0x9e: {  	s23 =	sadd.s32 s5, s22;
	[tilespmem:v16+s15+$0x0] =	vst.idx.msk vm7, v11  }
0x9f: {  	[hbm4b:s23+s11] =	stream.strided.scatter [tilespmem:s15], [sflag:$0x3], $0x2000, s12, s11, $0x38;
	[tilespmem:$0x1E700] =	vst v63  }
0xa0: {  	_ =	swait.ge [sflag:s17], $0x2000  }
0xa1: {  	[sflag:s17] =	ssyncset.done $0x0  }
0xa2: {  	s30 =	simm.s32 $0x1A770;
	[sflag:s17] =	ssyncadd.s32 $0xFFFFE000  }
0xa3: {  	v8 =	vld [tilespmem:s30+$0x0]  }
0xa4: {  	v10 =	vld [tilespmem:s30+$0xFFFFFFB0]  }
0xa5: {  	v11 =	vld [tilespmem:s30+$0xFFFFFFC0]  }
0xa6: {  	s24 =	simm.s32 $0x0;
	v12 =	vld [tilespmem:s30+$0xFFFFFFD0]  }
0xa7: {  	v20 =	vmov s24  }
0xa8: {  	v20 =	vshrl.u32 v20, $0x7;
	v9 =	vld [tilespmem:s30+$0xFFFFFFA0];
	vm0 =	vlt.s32 v8, $0xC2FF  }
0xa9: {  	v20 =	vshll.u32 v20, $0x7;
	v15 =	vld [tilespmem:s30+$0xFFFFFFE0];
	v13 =	vnsel vm0, $0xC2FF, v8;
	vm0 =	vlt.s32 v10, $0xC2FF  }
0xaa: {  	v20 =	vbroadcast v20, $0x0;
	v17 =	vld [tilespmem:s30+$0xFFFFFFF0];
	v16 =	vnsel vm0, $0xC2FF, v10;
	vm0 =	vlt.s32 v11, $0xC2FF  }
0xab: {  	s31 =	simm.s32 $0x1A7F0;
	vm4 =	vmmov vm7;
	v19 =	vld [tilespmem:s30+$0xFFFFFF90];
	v18 =	vnsel vm0, $0xC2FF, v11;
	vm0 =	vlt.s32 v12, $0xC2FF  }
0xac: {  	v53 =	vor.u32 v7, v20;
	v55 =	vld [tilespmem:s31+$0xFFFFFFB0];
	v56 =	vor.u32 v3, v20;
	v21 =	vnsel vm0, $0xC2FF, v12  }
0xad: {  	v57 =	vor.u32 v4, v20;
	v60 =	vld [tilespmem:s31+$0xFFFFFFF0];
	vm1 =	vlt.s32 v9, $0xC2FF;
	vm3 =	vlt.s32 v9, $0xC300  }
0xae: {  	vm8 =	vlt.s32 v8, $0xC300;
	vm7 =	vlt.s32 v10, $0xC300;
	vm5 =	vlt.s32 v11, $0xC300;
	v10 =	vld [tilespmem:s31+$0xFFFFFFA0]  }
0xaf: {  	vm4 =	vlt.s32 v12, $0xC300;
	vm2 =	vlt.s32 v17, $0xC300;
	v14 =	vnsel vm1, $0xC2FF, v9;
	v13 =	vld.idx.msk [tilespmem:v13+s6+$0x0], $0xffff  }
0xb0: {  	vm1 =	vlt.s32 v19, $0xC2FF;
	v9 =	vor.u32 v5, v20;
	vm0 =	vlt.s32 v15, $0xC2FF;
	v22 =	vld.idx.msk [tilespmem:v16+s6+$0x0], $0xffff  }
0xb1: {  	v8 =	vor.u32 v6, v20;
	v16 =	vnsel vm0, $0xC2FF, v15;
	vm0 =	vlt.s32 v17, $0xC2FF;
	v54 =	vld.idx.msk [tilespmem:v21+s6+$0x0], $0xffff  }
0xb2: {  	v23 =	vnsel vm0, $0xC2FF, v17;
	vm0 =	vlt.s32 v19, $0xC300;
	v21 =	vnsel vm1, $0xC2FF, v19;
	v19 =	vld [tilespmem:s31+$0x0]  }
0xb3: {  	v11 =	vor.u32 v0, v20;
	v12 =	vor.u32 v1, v20;
	v17 =	vor.u32 v2, v20;
	v20 =	vld [tilespmem:s31+$0xFFFFFFD0]  }
0xb4: {  	v58 =	vld [tilespmem:s31+$0xFFFFFFC0];
	vm10 =	vlt.s32 v10, $0xC2FF  }
0xb5: {  	v59 =	vld [tilespmem:s31+$0xFFFFFFE0];
	v34 =	vnsel vm10, $0xC2FF, v10  }
0xb6: {  	v14 =	vld.idx.msk [tilespmem:v14+s6+$0x0], $0xffff;
	vm10 =	vlt.s32 v60, $0xC300;
	vm1 =	vlt.s32 v15, $0xC300;
	vm6 =	vmmov vm0  }
0xb7: {  	s23 =	simm.s32 $0x80;
	v62 =	vld [tilespmem:s31+$0xFFFFFF90];
	vm0 =	vmmov vm2;
	vm2 =	vlt.s32 v10, $0xC300;
	vm9 =	vlt.s32 v19, $0xC2FF  }
0xb8: {  	v18 =	vld.idx.msk [tilespmem:v18+s6+$0x0], $0xffff;
	v15 =	vmov s23;
	[tilespmem:v53+s15+$0x0] =	vst.idx.msk vm8, v13;
	vm8 =	vlt.s32 v20, $0xC2FF;
	v61 =	vnsel vm9, $0xC2FF, v19  }
0xb9: {  	v10 =	vshrl.u32 v15, $0x7;
	v15 =	vld.idx.msk [tilespmem:v16+s6+$0x0], $0xffff;
	v37 =	vnsel vm8, $0xC2FF, v20;
	vm9 =	vlt.s32 v55, $0xC2FF  }
0xba: {  	v10 =	vshll.u32 v10, $0x7;
	v16 =	vld.idx.msk [tilespmem:v23+s6+$0x0], $0xffff;
	v35 =	vnsel vm9, $0xC2FF, v55;
	vm9 =	vlt.s32 v58, $0xC2FF  }
0xbb: {  	[tilespmem:v12+s15+$0x0] =	vst.idx.msk vm3, v14;
	vm3 =	vlt.s32 v59, $0xC2FF;
	v13 =	vbroadcast v10, $0x0;
	v36 =	vld.idx.msk [tilespmem:v21+s6+$0x0], $0xffff;
	v63 =	vnsel vm9, $0xC2FF, v58  }
0xbc: {  	vm1 =	vmmov vm1;
	v10 =	vnsel vm3, $0xC2FF, v59;
	[tilespmem:v17+s15+$0x0] =	vst.idx.msk vm7, v22;
	v17 =	vld.idx.msk [tilespmem:v34+s6+$0x0], $0xffff;
	vm7 =	vlt.s32 v19, $0xC300  }
0xbd: {  	vm3 =	vlt.s32 v60, $0xC2FF;
	[tilespmem:v56+s15+$0x0] =	vst.idx.msk vm5, v18;
	vm5 =	vlt.s32 v62, $0xC2FF;
	v23 =	vor.u32 v7, v13;
	v21 =	vld.idx.msk [tilespmem:v61+s6+$0x0], $0xffff  }
0xbe: {  	v12 =	vnsel vm3, $0xC2FF, v60;
	vm3 =	vlt.s32 v20, $0xC300;
	v14 =	vnsel vm5, $0xC2FF, v62;
	v20 =	vld.idx.msk [tilespmem:v37+s6+$0x0], $0xffff  }
0xbf: {  	[tilespmem:v57+s15+$0x0] =	vst.idx.msk vm4, v54;
	vm8 =	vlt.s32 v62, $0xC300;
	vm5 =	vlt.s32 v55, $0xC300;
	v22 =	vor.u32 v1, v13;
	v19 =	vld.idx.msk [tilespmem:v35+s6+$0x0], $0xffff  }
0xc0: {  	s25 =	simm.s32 $0x1A870;
	s24 =	simm.s32 $0x8;
	vm4 =	vlt.s32 v58, $0xC300;
	vm9 =	vlt.s32 v59, $0xC300;
	[tilespmem:v11+s15+$0x0] =	vst.idx.msk vm6, v36;
	v11 =	vor.u32 v0, v13;
	v18 =	vld.idx.msk [tilespmem:v63+s6+$0x0], $0xffff  }
.LBB2_7:
0xc1: {  	v24 =	vld [tilespmem:s25+$0x0];
	s24 =	sadd.s32 $0x8, s24;
	v25 =	vor.u32 v2, v13;
	v26 =	vor.u32 v3, v13;
	v27 =	vor.u32 v4, v13  }
0xc2: {  	v29 =	vor.u32 v5, v13;
	v13 =	vor.u32 v6, v13;
	vm6 =	vmmov vm8;
	v28 =	vld [tilespmem:s25+$0xFFFFFFA0];
	p0 =	slt.u32 s24, $0x1F8;
	[tilespmem:v23+s15+$0x0] =	vst.idx.msk vm7, v21  }
0xc3: {  	v30 =	vld [tilespmem:s25+$0xFFFFFFB0];
	[tilespmem:v9+s15+$0x0] =	vst.idx.msk vm1, v15;
	v9 =	vmov v29;
	vm1 =	vmmov vm9  }
0xc4: {  	v29 =	vld [tilespmem:s25+$0xFFFFFFC0];
	[tilespmem:v8+s15+$0x0] =	vst.idx.msk vm0, v16;
	v8 =	vmov v13;
	vm0 =	vmmov vm10  }
0xc5: {  	v31 =	vld [tilespmem:s25+$0xFFFFFFD0];
	[tilespmem:v22+s15+$0x0] =	vst.idx.msk vm2, v17  }
0xc6: {  	v22 =	vld [tilespmem:s25+$0xFFFFFFE0];
	vm7 =	vlt.s32 v24, $0xC2FF;
	[tilespmem:v25+s15+$0x0] =	vst.idx.msk vm5, v19  }
0xc7: {  	s23 =	sadd.s32 $0x80, s23;
	vm5 =	vlt.s32 v28, $0xC2FF;
	vm2 =	vlt.s32 v28, $0xC300;
	v25 =	vld [tilespmem:s25+$0xFFFFFFF0];
	v17 =	vnsel vm7, $0xC2FF, v24;
	[tilespmem:v26+s15+$0x0] =	vst.idx.msk vm4, v18  }
0xc8: {  	v13 =	vmov s23;
	v18 =	vld [tilespmem:s25+$0xFFFFFF90];
	v19 =	vnsel vm5, $0xC2FF, v28;
	vm4 =	vlt.s32 v30, $0xC2FF;
	[tilespmem:v27+s15+$0x0] =	vst.idx.msk vm3, v20  }
0xc9: {  	v13 =	vshrl.u32 v13, $0x7;
	v20 =	vnsel vm4, $0xC2FF, v30;
	vm3 =	vlt.s32 v29, $0xC2FF;
	v26 =	vld.idx.msk [tilespmem:v14+s6+$0x0], $0xffff  }
0xca: {  	v13 =	vshll.u32 v13, $0x7;
	v27 =	vnsel vm3, $0xC2FF, v29;
	vm3 =	vlt.s32 v31, $0xC2FF;
	v15 =	vld.idx.msk [tilespmem:v10+s6+$0x0], $0xffff  }
0xcb: {  	v13 =	vbroadcast v13, $0x0;
	v28 =	vnsel vm3, $0xC2FF, v31;
	vm3 =	vlt.s32 v22, $0xC2FF;
	v16 =	vld.idx.msk [tilespmem:v12+s6+$0x0], $0xffff  }
.Ltmp2:
0xcc: {  	vm7 =	vlt.s32 v24, $0xC300;
	v10 =	vnsel vm3, $0xC2FF, v22;
	vm3 =	vlt.s32 v25, $0xC2FF;
	v21 =	vld.idx.msk [tilespmem:v17+s6+$0x0], $0xffff;
	(pc) =	sbr.rel @p0 .LBB2_7-.Ltmp2, $4  }
0xcd: {  	v23 =	vor.u32 v7, v13;
	vm4 =	vlt.s32 v18, $0xC2FF;
	v17 =	vld.idx.msk [tilespmem:v19+s6+$0x0], $0xffff;
	v12 =	vnsel vm3, $0xC2FF, v25  }
0xce: {  	vm5 =	vlt.s32 v30, $0xC300;
	vm8 =	vlt.s32 v18, $0xC300;
	v14 =	vnsel vm4, $0xC2FF, v18;
	v19 =	vld.idx.msk [tilespmem:v20+s6+$0x0], $0xffff  }
0xcf: {  	vm9 =	vlt.s32 v22, $0xC300;
	vm3 =	vlt.s32 v31, $0xC300;
	vm4 =	vlt.s32 v29, $0xC300;
	v18 =	vld.idx.msk [tilespmem:v27+s6+$0x0], $0xffff;
	[tilespmem:v11+s15+$0x0] =	vst.idx.msk vm6, v26  }
0xd0: {  	s25 =	sadd.s32 $0x80, s25;
	v22 =	vor.u32 v1, v13;
	vm10 =	vlt.s32 v25, $0xC300;
	v11 =	vor.u32 v0, v13;
	v20 =	vld.idx.msk [tilespmem:v28+s6+$0x0], $0xffff  }
0xd1: {  	_ =	sdelay $0x3  }
0xd2: {  	v24 =	vor.u32 v2, v13  }
0xd3: {  	p0 =	seq.s32 s20, $0x19;
	v25 =	vor.u32 v3, v13;
	[tilespmem:v23+s15+$0x0] =	vst.idx.msk vm7, v21  }
0xd4: {  	v21 =	vor.u32 v4, v13;
	[tilespmem:v9+s15+$0x0] =	vst.idx.msk vm1, v15;
	s24 =	sadd.s32 @!p0 $0x1, s21  }
0xd5: {  	[tilespmem:v8+s15+$0x0] =	vst.idx.msk vm0, v16;
	v8 =	vld.idx.msk [tilespmem:v14+s6+$0x0], $0xffff;
	s21 =	sshrl.u32 @!p0 s24, $0x5;
	s23 =	sshrl.u32 @!p0 s24, $0x3  }
0xd6: {  	v9 =	vor.u32 v5, v13;
	v10 =	vld.idx.msk [tilespmem:v10+s6+$0x0], $0xffff;
	[tilespmem:v22+s15+$0x0] =	vst.idx.msk vm2, v17;
	s21 =	smul.u32 @!p0 $0x30E000, s21;
	s23 =	sand.u32 @!p0 $0x3, s23  }
0xd7: {  	v13 =	vor.u32 v6, v13;
	v12 =	vld.idx.msk [tilespmem:v12+s6+$0x0], $0xffff;
	s23 =	smul.u32 @!p0 $0xC3800, s23;
	[tilespmem:v24+s15+$0x0] =	vst.idx.msk vm5, v19  }
0xd8: {  	s24 =	sshll.u32 @!p0 s24, $0x7;
	[tilespmem:v25+s15+$0x0] =	vst.idx.msk vm4, v18  }
0xd9: {  	s24 =	sand.u32 @!p0 $0x380, s24;
	[tilespmem:v21+s15+$0x0] =	vst.idx.msk vm3, v20;
	s25 =	sadd.s32 @!p0 s21, s23  }
0xda: {  	[tilespmem:v11+s15+$0x0] =	vst.idx.msk vm8, v8;
	s25 =	sor.u32 @!p0 s24, s25  }
0xdb: {  	s26 =	simm.s32 @!p0 $0x80;
	[tilespmem:v9+s15+$0x0] =	vst.idx.msk vm9, v10;
	s25 =	sshrl.u32 @!p0 s25, $0x3  }
0xdc: {  	s28 =	simm.s32 @!p0 $0x400;
	s29 =	simm.s32 @!p0 $0x0;
	[tilespmem:v13+s15+$0x0] =	vst.idx.msk vm10, v12;
	s25 =	sadd.s32 @!p0 s2, s25  }
0xdd: {  	[tilespmem:s29], [sflag:$0x1] =	stream.strided.gather @!p0 [hbm4b:s25+s26], $0xC300, s28, s26, $0x38;
	[tilespmem:$0x1E700] =	vst v63  }
0xde: {  	s29 =	simm.s32 $0x1A770  }
0xdf: {  	v8 =	vld [tilespmem:s29+$0x0]  }
0xe0: {  	v9 =	vld [tilespmem:s29+$0xFFFFFFA0]  }
0xe1: {  	s30 =	simm.s32 $0x0;
	v10 =	vld [tilespmem:s29+$0xFFFFFFB0]  }
0xe2: {  	v18 =	vmov s30;
	v11 =	vld [tilespmem:s29+$0xFFFFFFC0]  }
0xe3: {  	v18 =	vshrl.u32 v18, $0x7;
	v12 =	vld [tilespmem:s29+$0xFFFFFFD0]  }
0xe4: {  	v18 =	vshll.u32 v18, $0x7;
	v13 =	vld [tilespmem:s29+$0xFFFFFFE0]  }
0xe5: {  	v18 =	vbroadcast v18, $0x0;
	v16 =	vld [tilespmem:s29+$0xFFFFFF90]  }
0xe6: {  	vm6 =	vmmov vm8;
	vm1 =	vmmov vm9;
	vm0 =	vmmov vm10  }
0xe7: {  	v26 =	vor.u32 v7, v18;
	v35 =	vor.u32 v0, v18;
	v36 =	vor.u32 v1, v18  }
0xe8: {  	v14 =	vadd.s32 $0xFFFF3D00, v8;
	v15 =	vadd.s32 $0xFFFF3D00, v9;
	vm1 =	vgt.s32 v9, $0xC2FF  }
0xe9: {  	v17 =	vadd.s32 $0xFFFF3D00, v10;
	v19 =	vadd.s32 $0xFFFF3D00, v11;
	v20 =	vadd.s32 $0xFFFF3D00, v12  }
0xea: {  	v21 =	vadd.s32 $0xFFFF3D00, v13;
	v23 =	vadd.s32 $0xFFFF3D00, v16;
	vm6 =	vgt.s32 v8, $0xC2FF  }
0xeb: {  	v9 =	vld [tilespmem:s29+$0xFFFFFFF0];
	vm9 =	vgt.s32 v16, $0xC2FF;
	v16 =	vor.u32 v2, v18;
	v8 =	vor.u32 v6, v18  }
0xec: {  	vm0 =	vgt.s32 v14, $0x0;
	vm2 =	vgt.s32 v15, $0x0;
	vm3 =	vgt.s32 v19, $0x0  }
0xed: {  	vm4 =	vgt.s32 v20, $0x0;
	vm5 =	vgt.s32 v21, $0x0;
	vm8 =	vgt.s32 v23, $0x0  }
0xee: {  	s31 =	simm.s32 $0x1A7F0;
	v14 =	vnsel vm0, $0x0, v14;
	vm0 =	vgt.s32 v17, $0x0;
	v24 =	vnsel vm2, $0x0, v15  }
0xef: {  	v25 =	vld [tilespmem:s31+$0xFFFFFF90];
	v23 =	vnsel vm8, $0x0, v23;
	v19 =	vnsel vm3, $0x0, v19;
	v20 =	vnsel vm4, $0x0, v20  }
0xf0: {  	v29 =	vnsel vm5, $0x0, v21;
	vm2 =	vgt.s32 v11, $0xC2FF;
	v11 =	vld [tilespmem:s31+$0xFFFFFFB0];
	v22 =	vadd.s32 $0xFFFF3D00, v9  }
0xf1: {  	s25 =	simm.s32 $0x80;
	vm5 =	vgt.s32 v13, $0xC2FF;
	v13 =	vor.u32 v3, v18;
	v15 =	vld [tilespmem:s31+$0xFFFFFFE0];
	vm7 =	vgt.s32 v22, $0x0  }
0xf2: {  	v21 =	vmov s25;
	v27 =	vnsel vm0, $0x0, v17;
	v34 =	vnsel vm7, $0x0, v22;
	v22 =	vld [tilespmem:s31+$0x0]  }
0xf3: {  	vm0 =	vgt.s32 v10, $0xC2FF;
	v17 =	vld [tilespmem:s31+$0xFFFFFFA0];
	vm2 =	vmmov vm2;
	v21 =	vshrl.u32 v21, $0x7  }
0xf4: {  	v10 =	vor.u32 v4, v18;
	v21 =	vshll.u32 v21, $0x7;
	vm4 =	vgt.s32 v9, $0xC2FF;
	v28 =	vld.idx.msk [tilespmem:v14+s13+$0x0], $0xffff  }
0xf5: {  	v9 =	vor.u32 v5, v18;
	v21 =	vbroadcast v21, $0x0;
	vm7 =	vmmov vm1;
	v14 =	vld [tilespmem:s31+$0xFFFFFFC0]  }
0xf6: {  	vm1 =	vgt.s32 v12, $0xC2FF;
	v12 =	vld [tilespmem:s31+$0xFFFFFFD0];
	v37 =	vadd.s32 $0xFFFF3D00, v11;
	v42 =	vadd.s32 $0xFFFF3D00, v15  }
0xf7: {  	v39 =	vld.idx.msk [tilespmem:v23+s13+$0x0], $0xffff;
	vm3 =	vmmov vm1;
	vm1 =	vmmov vm5;
	v18 =	vadd.s32 $0xFFFF3D00, v22  }
0xf8: {  	v33 =	vadd.s32 $0xFFFF3D00, v17;
	vm5 =	vgt.s32 v17, $0xC2FF;
	v17 =	vld [tilespmem:s31+$0xFFFFFFF0];
	vm8 =	vgt.s32 v18, $0x0  }
0xf9: {  	v31 =	vld.idx.msk [tilespmem:v19+s13+$0x0], $0xffff;
	v19 =	vadd.s32 $0xFFFF3D00, v25;
	vm11 =	vgt.s32 v37, $0x0;
	v18 =	vnsel vm8, $0x0, v18  }
0xfa: {  	v41 =	vld.idx.msk [tilespmem:v24+s13+$0x0], $0xffff;
	vm14 =	vgt.s32 v42, $0x0;
	vm10 =	vgt.s32 v33, $0x0;
	v23 =	vnsel vm11, $0x0, v37  }
0xfb: {  	v29 =	vld.idx.msk [tilespmem:v29+s13+$0x0], $0xffff;
	v24 =	vnsel vm10, $0x0, v33;
	v33 =	vor.u32 v7, v21;
	v38 =	vadd.s32 $0xFFFF3D00, v14  }
0xfc: {  	v32 =	vld.idx.msk [tilespmem:v27+s13+$0x0], $0xffff;
	v40 =	vadd.s32 $0xFFFF3D00, v12;
	[tilespmem:v26+s15+$0x0] =	vst.idx.msk vm6, v28;
	vm6 =	vgt.s32 v19, $0x0;
	vm12 =	vgt.s32 v38, $0x0  }
0xfd: {  	v27 =	vld.idx.msk [tilespmem:v20+s13+$0x0], $0xffff;
	vm13 =	vgt.s32 v40, $0x0;
	v43 =	vadd.s32 $0xFFFF3D00, v17;
	vm8 =	vgt.s32 v22, $0xC2FF  }
0xfe: {  	[tilespmem:v35+s15+$0x0] =	vst.idx.msk vm9, v39;
	v26 =	vnsel vm6, $0x0, v19;
	v19 =	vnsel vm14, $0x0, v42;
	vm15 =	vgt.s32 v43, $0x0;
	v30 =	vld.idx.msk [tilespmem:v18+s13+$0x0], $0xffff  }
0xff: {  	s20 =	sadd.s32 $0x1, s20;
	s26 =	simm.s32 $0x8;
	s28 =	simm.s32 $0x1A870;
	v28 =	vld.idx.msk [tilespmem:v34+s13+$0x0], $0xffff;
	[tilespmem:v36+s15+$0x0] =	vst.idx.msk vm7, v41;
	v22 =	vnsel vm12, $0x0, v38;
	v20 =	vnsel vm13, $0x0, v40;
	v18 =	vnsel vm15, $0x0, v43  }
.LBB2_9:
0x100: {  	vm7 =	vgt.s32 v25, $0xC2FF;
	vm10 =	vgt.s32 v14, $0xC2FF  }
0x101: {  	v34 =	vld [tilespmem:s28+$0x0];
	s26 =	sadd.s32 $0x8, s26;
	[tilespmem:v16+s15+$0x0] =	vst.idx.msk vm0, v32;
	vm0 =	vgt.s32 v11, $0xC2FF;
	vm9 =	vmmov vm4;
	vm6 =	vmmov vm5  }
0x102: {  	vm5 =	vgt.s32 v12, $0xC2FF;
	vm11 =	vgt.s32 v15, $0xC2FF;
	vm4 =	vgt.s32 v17, $0xC2FF;
	v25 =	vld [tilespmem:s28+$0xFFFFFFA0];
	p1 =	slt.u32 s26, $0x1F8;
	[tilespmem:v13+s15+$0x0] =	vst.idx.msk vm2, v31  }
0x103: {  	v35 =	vor.u32 v0, v21;
	v36 =	vor.u32 v1, v21;
	vm2 =	vmmov vm10;
	v11 =	vld [tilespmem:s28+$0xFFFFFFB0];
	[tilespmem:v33+s15+$0x0] =	vst.idx.msk vm8, v30  }
0x104: {  	v16 =	vor.u32 v2, v21;
	v15 =	vor.u32 v4, v21;
	v13 =	vor.u32 v3, v21;
	v14 =	vld [tilespmem:s28+$0xFFFFFFC0]  }
0x105: {  	v17 =	vor.u32 v5, v21;
	v21 =	vor.u32 v6, v21;
	v12 =	vld [tilespmem:s28+$0xFFFFFFD0];
	[tilespmem:v10+s15+$0x0] =	vst.idx.msk vm3, v27;
	v10 =	vmov v15  }
0x106: {  	vm3 =	vmmov vm5;
	v15 =	vld [tilespmem:s28+$0xFFFFFFE0];
	v27 =	vadd.s32 $0xFFFF3D00, v34;
	[tilespmem:v9+s15+$0x0] =	vst.idx.msk vm1, v29;
	v9 =	vmovc v17;
	vm1 =	vmmov vm11  }
0x107: {  	v29 =	vadd.s32 $0xFFFF3D00, v25;
	vm5 =	vgt.s32 v25, $0xC2FF;
	v17 =	vld [tilespmem:s28+$0xFFFFFFF0];
	vm8 =	vgt.s32 v27, $0x0;
	[tilespmem:v8+s15+$0x0] =	vst.idx.msk vm9, v28;
	v8 =	vmovc v21  }
0x108: {  	s25 =	sadd.s32 $0x80, s25;
	v25 =	vld [tilespmem:s28+$0xFFFFFF90];
	vm9 =	vgt.s32 v29, $0x0;
	v28 =	vadd.s32 $0xFFFF3D00, v11;
	v27 =	vnsel vm8, $0x0, v27  }
0x109: {  	v21 =	vmov s25;
	vm10 =	vgt.s32 v28, $0x0;
	v37 =	vadd.s32 $0xFFFF3D00, v14;
	v38 =	vld.idx.msk [tilespmem:v26+s13+$0x0], $0xffff  }
0x10a: {  	v21 =	vshrl.u32 v21, $0x7;
	vm11 =	vgt.s32 v37, $0x0;
	v39 =	vadd.s32 $0xFFFF3D00, v12;
	v40 =	vld.idx.msk [tilespmem:v24+s13+$0x0], $0xffff  }
0x10b: {  	v21 =	vshll.u32 v21, $0x7;
	vm12 =	vgt.s32 v39, $0x0;
	v41 =	vadd.s32 $0xFFFF3D00, v15;
	v32 =	vld.idx.msk [tilespmem:v23+s13+$0x0], $0xffff  }
.Ltmp3:
0x10c: {  	v21 =	vbroadcast v21, $0x0;
	vm13 =	vgt.s32 v41, $0x0;
	v42 =	vadd.s32 $0xFFFF3D00, v17;
	v31 =	vld.idx.msk [tilespmem:v22+s13+$0x0], $0xffff;
	(pc) =	sbr.rel @p1 .LBB2_9-.Ltmp3, $4  }
0x10d: {  	vm8 =	vgt.s32 v34, $0xC2FF;
	v22 =	vadd.s32 $0xFFFF3D00, v25;
	vm14 =	vgt.s32 v42, $0x0;
	v30 =	vld.idx.msk [tilespmem:v27+s13+$0x0], $0xffff  }
0x10e: {  	v24 =	vnsel vm9, $0x0, v29;
	v33 =	vor.u32 v7, v21;
	vm15 =	vgt.s32 v22, $0x0;
	v27 =	vld.idx.msk [tilespmem:v20+s13+$0x0], $0xffff  }
0x10f: {  	v23 =	vnsel vm10, $0x0, v28;
	v26 =	vnsel vm15, $0x0, v22;
	v22 =	vnsel vm11, $0x0, v37;
	[tilespmem:v35+s15+$0x0] =	vst.idx.msk vm7, v38;
	v29 =	vld.idx.msk [tilespmem:v19+s13+$0x0], $0xffff  }
0x110: {  	s28 =	sadd.s32 $0x80, s28;
	v20 =	vnsel vm12, $0x0, v39;
	v19 =	vnsel vm13, $0x0, v41;
	[tilespmem:v36+s15+$0x0] =	vst.idx.msk vm6, v40;
	v28 =	vld.idx.msk [tilespmem:v18+s13+$0x0], $0xffff;
	v18 =	vnsel vm14, $0x0, v42  }
0x111: {  	_ =	sdelay $0x3  }
0x112: {  	vm4 =	vmmov vm4  }
0x113: {  	vm6 =	vgt.s32 v25, $0xC2FF;
	[tilespmem:v16+s15+$0x0] =	vst.idx.msk vm0, v32  }
0x114: {  	vm9 =	vmmov vm5;
	[tilespmem:v13+s15+$0x0] =	vst.idx.msk vm2, v31;
	v51 =	vor.u32 v0, v21;
	v52 =	vld.idx.msk [tilespmem:v26+s13+$0x0], $0xffff  }
0x115: {  	vm10 =	vgt.s32 v11, $0xC2FF;
	v53 =	vor.u32 v1, v21;
	v54 =	vld.idx.msk [tilespmem:v24+s13+$0x0], $0xffff;
	[tilespmem:v33+s15+$0x0] =	vst.idx.msk vm8, v30  }
0x116: {  	vm11 =	vgt.s32 v14, $0xC2FF;
	v55 =	vor.u32 v2, v21;
	v56 =	vld.idx.msk [tilespmem:v23+s13+$0x0], $0xffff;
	vm14 =	vgt.s32 v17, $0xC2FF;
	[tilespmem:v10+s15+$0x0] =	vst.idx.msk vm3, v27  }
0x117: {  	vm12 =	vgt.s32 v15, $0xC2FF;
	v62 =	vor.u32 v6, v21;
	v63 =	vld.idx.msk [tilespmem:v18+s13+$0x0], $0xffff;
	vm5 =	vmmov vm11;
	[tilespmem:v9+s15+$0x0] =	vst.idx.msk vm1, v29  }
0x118: {  	vm7 =	vgt.s32 v12, $0xC2FF;
	v57 =	vor.u32 v3, v21;
	v58 =	vld.idx.msk [tilespmem:v22+s13+$0x0], $0xffff;
	vm3 =	vmmov vm12;
	[tilespmem:v8+s15+$0x0] =	vst.idx.msk vm4, v28  }
0x119: {  	v60 =	vor.u32 v5, v21;
	v61 =	vld.idx.msk [tilespmem:v19+s13+$0x0], $0xffff;
	vm13 =	vmmov vm7;
	[tilespmem:v51+s15+$0x0] =	vst.idx.msk vm6, v52  }
0x11a: {  	v59 =	vor.u32 v4, v21;
	v8 =	vld.idx.msk [tilespmem:v20+s13+$0x0], $0xffff;
	[tilespmem:v53+s15+$0x0] =	vst.idx.msk vm9, v54  }
0x11b: {  	[tilespmem:v55+s15+$0x0] =	vst.idx.msk vm10, v56  }
0x11c: {  	[tilespmem:v62+s15+$0x0] =	vst.idx.msk vm14, v63  }
0x11d: {  	[tilespmem:v57+s15+$0x0] =	vst.idx.msk vm5, v58  }
0x11e: {  	s21 =	sor.u32 @!p0 s24, s21;
	[tilespmem:v60+s15+$0x0] =	vst.idx.msk vm3, v61  }
0x11f: {  	s22 =	sadd.s32 s22, s9;
	s24 =	simm.s32 @!p0 $0xC300;
	s21 =	sadd.s32 @!p0 s23, s21;
	[tilespmem:v59+s15+$0x0] =	vst.idx.msk vm13, v8  }
0x120: {  	[hbm4b:s22+s11] =	stream.strided.scatter [tilespmem:s15], [sflag:$0x3], $0x2000, s12, s11, $0x38;
	[tilespmem:$0x1E700] =	vst v63  }
0x121: {  	p1 =	sne.s32 @!p0 s20, $0x1A;
	s21 =	sadd.s32 @!p0 $0x61800, s21;
	_ =	swait.ge [sflag:s17], $0x2000  }
0x122: {  	s23 =	simm.s32 @!p0 $0x400;
	s21 =	sshrl.u32 @!p0 s21, $0x3;
	[sflag:s17] =	ssyncset.done $0x0  }
0x123: {  	s21 =	sadd.s32 @!p0 s2, s21;
	s22 =	simm.s32 @!p0 $0x80;
	[sflag:s17] =	ssyncadd.s32 $0xFFFFE000  }
0x124: {  	[tilespmem:s24], [sflag:$0x2] =	stream.strided.gather @!p0 [hbm4b:s21+s22], $0xC400, s23, s22, $0x38;
	[tilespmem:$0x1E700] =	vst v63  }
0x125: {  	p0 =	por p0, !p1  }
.Ltmp4:
0x126: {  	_ = 	snop;
	(pc) =	sbr.rel @!p0 .LBB2_2-.Ltmp4, $2  }
0x127: {  	_ =	sdelay $0x2  }
0x128: {  	vm15 =	vmmov vm14  }
0x129: {  	s18 =	sadd.s32 $0x1, s18  }
0x12a: {  	p0 =	sne.s32 s18, s10  }
.Ltmp5:
0x12b: {  	_ = 	snop;
	(pc) =	sbr.rel @p0 .LBB2_1-.Ltmp5, $1  }
0x12c: {  	_ =	sdelay $0x3  }
0x12d: {  	_ =	sfence.sel $0x180000  }
0x12e: {  	[bflag:$0x0] =	sbarrier.arrive $0xFFFF  }
0x12f: {  	p0 =	sne.s32 s0, $0x0;
	_ =	strace $0x90000047  }
0x130: {  	s0 =	sadd.s32 @!p0 $0x100000, s3;
	[bflag:$0x2] =	sbarrier.arrive $0xFFFF  }
0x131: {  	[sflag:s0] =	ssyncadd.tile.s32 @!p0 $0x1;
	_ =	shalt  }
.Lfunc_end2:
_tile_overlayer_lowered:
.L_overlay_start_2:
0x132: {  	(tag) =	ssettag $0x2  }
0x133: {  	s0 =	rddreg [dreg:$0x0];
	s2 =	stileid.u32  }
0x134: {  	s1 =	rddreg [dreg:$0x1];
	p0 =	sne.s32 s2, $0x0  }
0x135: {  	s3 =	rddreg [dreg:$0x2];
	[bflag:$0x3] =	sbarrier.arrive $0xFFFF;
	s2 =	simm.s32 @!p0 $0x1C03  }
0x136: {  	[timem:s3], [sflag:s2] =	dma.local @!p0 [hbm:s0], s1  }
0x137: {  	s0 =	simm.s32 @!p0 $0x3  }
0x138: {  	_ =	swait.ge @!p0 [sflag:s0], s1  }
0x139: {  	s1 =	ssub.s32 @!p0 $0x0, s1;
	[sflag:s0] =	ssyncset.done @!p0 $0x0  }
0x13a: {  	[sflag:s0] =	ssyncadd.s32 @!p0 s1  }
0x13b: {  	[bflag:$0x3] =	sbarrier.arrive $0xFFFF  }
0x13c: {  	_ =	shalt  }

</sc_bundles>
